<compile_context>
chip_gen: v7x
topology: tpu7x:2x2x1
jax: 0.10.2.dev20260603
libtpu: 0.0.44.dev20260713+nightly
codegen_flags: <defaults>
</compile_context>

<pallas_src>
import jax
import jax.numpy as jnp
from jax import lax
from jax.experimental import pallas as pl
from jax.experimental.pallas import tpu as pltpu
from jax.experimental.pallas import tpu_sc as plsc

N_NODES = 10000
N_EDGES = 320000
D = 128
DH = D // 2

NC = 2
NS = 16
NW = NC * NS
EDGES_PER_TILE = N_EDGES // NW
CHUNK = 80
NCHUNK = EDGES_PER_TILE // CHUNK
NBUF = 5
ACC_ROWS = 10240
ROWS_PER_TILE = ACC_ROWS // NS


def _sc_agg_body(h_hbm, src_hbm, dst_hbm, zeros_hbm, out_hbm,
                 src_v, dst_v, *rest):
    bufs = list(rest[:NBUF])
    acc = rest[NBUF]
    gsems = list(rest[NBUF + 1:2 * NBUF + 1])
    ssems = list(rest[2 * NBUF + 1:3 * NBUF + 1])

    c = lax.axis_index("c")
    s = lax.axis_index("s")
    wid = s * NC + c
    rows = pl.ds(s * ROWS_PER_TILE, ROWS_PER_TILE)

    pltpu.sync_copy(src_hbm.at[wid], src_v)
    pltpu.sync_copy(dst_hbm.at[wid], dst_v)

    for p in range(2):
        table = h_hbm.at[p]
        pltpu.sync_copy(zeros_hbm, acc.at[rows])
        for b in range(NBUF):
            pltpu.async_copy(table.at[src_v.at[b]], bufs[b], gsems[b])
        plsc.subcore_barrier()

        @pl.loop(0, NCHUNK, step=NBUF)
        def _chunks(j0):
            for b in range(NBUF):
                j = j0 + b
                pltpu.make_async_copy(table.at[src_v.at[j]], bufs[b], gsems[b]).wait()
                pltpu.async_copy(bufs[b], acc.at[dst_v.at[j]], ssems[b], add=True)

                @pl.when(j + NBUF < NCHUNK)
                def _issue(b=b, j=j):
                    pltpu.make_async_copy(bufs[b], acc.at[dst_v.at[j]], ssems[b]).wait()
                    pltpu.async_copy(table.at[src_v.at[j + NBUF]], bufs[b], gsems[b])

        for b in range(NBUF):
            j = NCHUNK - NBUF + b
            pltpu.make_async_copy(bufs[b], acc.at[dst_v.at[j]], ssems[b]).wait()

        plsc.subcore_barrier()

        pltpu.sync_copy(acc.at[rows], out_hbm.at[p, c, rows])


_sc_agg = pl.kernel(
    _sc_agg_body,
    out_type=jax.ShapeDtypeStruct((2, NC, ACC_ROWS, DH), jnp.float32),
    mesh=plsc.VectorSubcoreMesh(core_axis_name="c", subcore_axis_name="s"),
    compiler_params=pltpu.CompilerParams(use_tc_tiling_on_sc=False),
    scratch_types=(
        [pltpu.VMEM((NCHUNK, CHUNK), jnp.int32)] * 2
        + [pltpu.VMEM((CHUNK, DH), jnp.float32)] * NBUF
        + [pltpu.VMEM_SHARED((ACC_ROWS, DH), jnp.float32)]
        + [pltpu.SemaphoreType.DMA] * (2 * NBUF)
    ),
)


def _mlp_body(x_ref, paa_ref, pab_ref, pba_ref, pbb_ref,
              w1_ref, b1_ref, w2_ref, b2_ref, o_ref, opair_ref):
    agg_lo = paa_ref[0, 0] + pab_ref[0, 0]
    agg_hi = pba_ref[0, 0] + pbb_ref[0, 0]
    h = x_ref[...] + jnp.concatenate([agg_lo, agg_hi], axis=1)
    h = jnp.dot(h, w1_ref[...], preferred_element_type=jnp.float32)
    h = jnp.maximum(h + b1_ref[0:1, :], 0.0)
    h = jnp.dot(h, w2_ref[...], preferred_element_type=jnp.float32)
    h = jnp.maximum(h + b2_ref[0:1, :], 0.0)
    o_ref[...] = h
    opair_ref[0, :, :] = h[:, :DH]
    opair_ref[1, :, :] = h[:, DH:]


_MLP_BLOCK = 2000

_mlp = pl.pallas_call(
    _mlp_body,
    grid=(N_NODES // _MLP_BLOCK,),
    in_specs=[
        pl.BlockSpec((_MLP_BLOCK, D), lambda i: (i, 0)),
        pl.BlockSpec((1, 1, _MLP_BLOCK, DH), lambda i: (0, 0, i, 0)),
        pl.BlockSpec((1, 1, _MLP_BLOCK, DH), lambda i: (0, 1, i, 0)),
        pl.BlockSpec((1, 1, _MLP_BLOCK, DH), lambda i: (1, 0, i, 0)),
        pl.BlockSpec((1, 1, _MLP_BLOCK, DH), lambda i: (1, 1, i, 0)),
        pl.BlockSpec((D, D), lambda i: (0, 0)),
        pl.BlockSpec((8, D), lambda i: (0, 0)),
        pl.BlockSpec((D, D), lambda i: (0, 0)),
        pl.BlockSpec((8, D), lambda i: (0, 0)),
    ],
    out_specs=[
        pl.BlockSpec((_MLP_BLOCK, D), lambda i: (i, 0)),
        pl.BlockSpec((2, _MLP_BLOCK, DH), lambda i: (0, i, 0)),
    ],
    out_shape=[
        jax.ShapeDtypeStruct((N_NODES, D), jnp.float32),
        jax.ShapeDtypeStruct((2, N_NODES, DH), jnp.float32),
    ],
)


def kernel(x, edge_index, W1_0, b1_0, W2_0, b2_0, W1_1, b1_1, W2_1, b2_1,
           W1_2, b1_2, W2_2, b2_2):
    src = edge_index[0].astype(jnp.int32).reshape(NW, NCHUNK, CHUNK)
    dst = edge_index[1].astype(jnp.int32).reshape(NW, NCHUNK, CHUNK)
    zeros = jnp.zeros((ROWS_PER_TILE, DH), jnp.float32)

    Ws1 = jnp.stack([W1_0, W1_1, W1_2])
    Ws2 = jnp.stack([W2_0, W2_1, W2_2])
    bs1 = jnp.stack([jnp.broadcast_to(b.reshape(1, D), (8, D))
                     for b in (b1_0, b1_1, b1_2)])
    bs2 = jnp.stack([jnp.broadcast_to(b.reshape(1, D), (8, D))
                     for b in (b2_0, b2_1, b2_2)])

    def step(carry, p):
        h, h_pair = carry
        W1, b1, W2, b2 = p
        part = _sc_agg(h_pair, src, dst, zeros)
        hn, hn_pair = _mlp(h, part, part, part, part, W1, b1, W2, b2)
        return (hn, hn_pair), hn

    x_pair = jnp.stack([x[:, :DH], x[:, DH:]])
    _, ys = lax.scan(step, (x, x_pair), (Ws1, bs1, Ws2, bs2))
    return jnp.concatenate([x, ys[0], ys[1], ys[2]], axis=1)

# --- scband reference (transcript-rebuilt; emitter-appended) ---
"""Pipeline reference for scband-gin-processor-51453708206456 (READ-ONLY COPY).

The authoritative reference and input builder live on the scoring server;
editing this copy changes nothing except your own understanding.
"""

import jax, jax.numpy as jnp
import numpy as np

N_NODES = 10000
N_EDGES = 320000
D_FEAT = 128
HID = 128
NUM_LAYERS = 3


def setup_inputs(seed: int = 0) -> dict:
    key = jax.random.key(seed)
    ks = jax.random.split(key, 2 + 4 * NUM_LAYERS)
    inp = {}
    inp['x'] = jax.random.normal(ks[0], (N_NODES, D_FEAT), dtype=jnp.float32)
    inp['edge_index'] = jax.random.randint(ks[1], (2, N_EDGES), 0, N_NODES, dtype=jnp.int64)
    # MLP params per GIN layer: Linear(in,hid) + ReLU + Linear(hid,hid) + ReLU (output_activation='relu')
    for layer in range(NUM_LAYERS):
        in_dim = D_FEAT if layer == 0 else HID
        s1 = 1.0 / np.sqrt(in_dim)
        s2 = 1.0 / np.sqrt(HID)
        inp[f'W1_{layer}'] = jax.random.uniform(ks[2 + 4 * layer], (in_dim, HID), dtype=jnp.float32, minval=-s1, maxval=s1)
        inp[f'b1_{layer}'] = jax.random.uniform(ks[3 + 4 * layer], (HID,), dtype=jnp.float32, minval=-s1, maxval=s1)
        inp[f'W2_{layer}'] = jax.random.uniform(ks[4 + 4 * layer], (HID, HID), dtype=jnp.float32, minval=-s2, maxval=s2)
        inp[f'b2_{layer}'] = jax.random.uniform(ks[5 + 4 * layer], (HID,), dtype=jnp.float32, minval=-s2, maxval=s2)
    return inp


def _gin_conv(x, edge_index, W1, b1, W2, b2, eps=0.0):
    src = edge_index[0]
    dst = edge_index[1]
    # sum aggregation of neighbor messages (scatter-add)
    agg = jnp.zeros_like(x).at[dst].add(x[src])
    h = (1.0 + eps) * x + agg
    # MLP with num_hid=1 hidden layer, output_activation='relu'
    h = jax.nn.relu(h @ W1 + b1)
    h = jax.nn.relu(h @ W2 + b2)
    return h


def reference(x, edge_index, W1_0, b1_0, W2_0, b2_0, W1_1, b1_1, W2_1, b2_1, W1_2, b1_2, W2_2, b2_2):
    params = [
        (W1_0, b1_0, W2_0, b2_0),
        (W1_1, b1_1, W2_1, b2_1),
        (W1_2, b1_2, W2_2, b2_2),
    ]
    x_cat = [x]  # skip_first_features=False
    h = x
    for layer in range(NUM_LAYERS):
        W1, b1, W2, b2 = params[layer]
        h = _gin_conv(h, edge_index, W1, b1, W2, b2)
        x_cat.append(h)
    return jnp.concatenate(x_cat, axis=1)

if __name__ == "__main__":
    import jax
    _d = setup_inputs()
    print(jax.jit(kernel)(*tuple(_d.values())))

</pallas_src>

<mosaic_0001>
#map = affine_map<(d0, d1) -> (0, 0, 0)>
#map1 = affine_map<(d0, d1) -> (0, 0)>
#map2 = affine_map<(d0, d1) -> (0, 0, 0, 0)>
module attributes {stable_mosaic.version = 14 : i64} {
  func.func @_sc_agg_body(%arg0: i32, %arg1: i32, %arg2: memref<2x10000x64xf32, #tpu.memory_space<hbm>>, %arg3: memref<32x125x80xi32, #tpu.memory_space<hbm>>, %arg4: memref<32x125x80xi32, #tpu.memory_space<hbm>>, %arg5: memref<640x64xf32, #tpu.memory_space<hbm>>, %arg6: memref<2x2x10240x64xf32, #tpu.memory_space<hbm>>, %arg7: memref<125x80xi32, #tpu.memory_space<vmem>>, %arg8: memref<125x80xi32, #tpu.memory_space<vmem>>, %arg9: memref<80x64xf32, #tpu.memory_space<vmem>>, %arg10: memref<80x64xf32, #tpu.memory_space<vmem>>, %arg11: memref<80x64xf32, #tpu.memory_space<vmem>>, %arg12: memref<80x64xf32, #tpu.memory_space<vmem>>, %arg13: memref<80x64xf32, #tpu.memory_space<vmem>>, %arg14: memref<10240x64xf32, #tpu.memory_space<vmem_shared>>, %arg15: memref<!tpu.dma_semaphore, #tpu.memory_space<semaphore_mem>>, %arg16: memref<!tpu.dma_semaphore, #tpu.memory_space<semaphore_mem>>, %arg17: memref<!tpu.dma_semaphore, #tpu.memory_space<semaphore_mem>>, %arg18: memref<!tpu.dma_semaphore, #tpu.memory_space<semaphore_mem>>, %arg19: memref<!tpu.dma_semaphore, #tpu.memory_space<semaphore_mem>>, %arg20: memref<!tpu.dma_semaphore, #tpu.memory_space<semaphore_mem>>, %arg21: memref<!tpu.dma_semaphore, #tpu.memory_space<semaphore_mem>>, %arg22: memref<!tpu.dma_semaphore, #tpu.memory_space<semaphore_mem>>, %arg23: memref<!tpu.dma_semaphore, #tpu.memory_space<semaphore_mem>>, %arg24: memref<!tpu.dma_semaphore, #tpu.memory_space<semaphore_mem>>) attributes {dimension_semantics = [#tpu.dimension_semantics<core_parallel>, #tpu.dimension_semantics<subcore_parallel>], iteration_bounds = array<i64: 2, 16>, scalar_prefetch = 0 : i64, scratch_operands = 18 : i64, tpu.core_type = #tpu.core_type<sc_vector_subcore>, window_params = [{transform_indices = #map}, {transform_indices = #map}, {transform_indices = #map}, {transform_indices = #map1}, {transform_indices = #map2}]} {
    %mul3A = arith.constant 2 : i32
    %mul3A_0 = arith.muli %arg1, %mul3A : i32
    %add3A = arith.addi %mul3A_0, %arg0 : i32
    %mul3A_1 = arith.constant 640 : i32
    %mul3A_2 = arith.muli %arg1, %mul3A_1 : i32
    "tpu.region"() ({
      %run_scoped3A_206 = tpu.sem_alloc : memref<!tpu.dma_semaphore, #tpu.memory_space<semaphore_mem>>
      %dma_start3A_207 = arith.constant 0 : i32
      %dma_start3A_208 = arith.constant 0 : i32
      %dma_start3A_209 = tpu.memref_slice %arg3[%add3A, %dma_start3A_207, %dma_start3A_208] : memref<32x125x80xi32, #tpu.memory_space<hbm>> -> memref<1x125x80xi32, #tpu.memory_space<hbm>>
      %dma_start3A_210 = tpu.memref_squeeze %dma_start3A_209 : memref<1x125x80xi32, #tpu.memory_space<hbm>> -> memref<125x80xi32, #tpu.memory_space<hbm>>
      %dma_start3A_211 = arith.constant 0 : i32
      %dma_start3A_212 = arith.constant 0 : i32
      %dma_start3A_213 = tpu.memref_slice %arg3[%add3A, %dma_start3A_211, %dma_start3A_212] : memref<32x125x80xi32, #tpu.memory_space<hbm>> -> memref<1x125x80xi32, #tpu.memory_space<hbm>>
      %dma_start3A_214 = tpu.memref_squeeze %dma_start3A_213 : memref<1x125x80xi32, #tpu.memory_space<hbm>> -> memref<125x80xi32, #tpu.memory_space<hbm>>
      tpu.enqueue_dma source(%dma_start3A_214 : memref<125x80xi32, #tpu.memory_space<hbm>>) target(%arg7 : memref<125x80xi32, #tpu.memory_space<vmem>>) target_semaphore(%run_scoped3A_206 : memref<!tpu.dma_semaphore, #tpu.memory_space<semaphore_mem>>)
      %dma_wait3A_215 = arith.constant 0 : i32
      %dma_wait3A_216 = arith.constant 0 : i32
      %dma_wait3A_217 = tpu.memref_slice %arg3[%add3A, %dma_wait3A_215, %dma_wait3A_216] : memref<32x125x80xi32, #tpu.memory_space<hbm>> -> memref<1x125x80xi32, #tpu.memory_space<hbm>>
      %dma_wait3A_218 = tpu.memref_squeeze %dma_wait3A_217 : memref<1x125x80xi32, #tpu.memory_space<hbm>> -> memref<125x80xi32, #tpu.memory_space<hbm>>
      %dma_wait3A_219 = arith.constant 0 : i32
      %dma_wait3A_220 = arith.constant 0 : i32
      %dma_wait3A_221 = tpu.memref_slice %arg3[%add3A, %dma_wait3A_219, %dma_wait3A_220] : memref<32x125x80xi32, #tpu.memory_space<hbm>> -> memref<1x125x80xi32, #tpu.memory_space<hbm>>
      %dma_wait3A_222 = tpu.memref_squeeze %dma_wait3A_221 : memref<1x125x80xi32, #tpu.memory_space<hbm>> -> memref<125x80xi32, #tpu.memory_space<hbm>>
      tpu.wait_dma2 semaphore(%run_scoped3A_206 : memref<!tpu.dma_semaphore, #tpu.memory_space<semaphore_mem>>) src(%dma_wait3A_222 : memref<125x80xi32, #tpu.memory_space<hbm>>) dst(%arg7 : memref<125x80xi32, #tpu.memory_space<vmem>>)
      tpu.yield
    }) : () -> ()
    "tpu.region"() ({
      %run_scoped3A_206 = tpu.sem_alloc : memref<!tpu.dma_semaphore, #tpu.memory_space<semaphore_mem>>
      %dma_start3A_207 = arith.constant 0 : i32
      %dma_start3A_208 = arith.constant 0 : i32
      %dma_start3A_209 = tpu.memref_slice %arg4[%add3A, %dma_start3A_207, %dma_start3A_208] : memref<32x125x80xi32, #tpu.memory_space<hbm>> -> memref<1x125x80xi32, #tpu.memory_space<hbm>>
      %dma_start3A_210 = tpu.memref_squeeze %dma_start3A_209 : memref<1x125x80xi32, #tpu.memory_space<hbm>> -> memref<125x80xi32, #tpu.memory_space<hbm>>
      %dma_start3A_211 = arith.constant 0 : i32
      %dma_start3A_212 = arith.constant 0 : i32
      %dma_start3A_213 = tpu.memref_slice %arg4[%add3A, %dma_start3A_211, %dma_start3A_212] : memref<32x125x80xi32, #tpu.memory_space<hbm>> -> memref<1x125x80xi32, #tpu.memory_space<hbm>>
      %dma_start3A_214 = tpu.memref_squeeze %dma_start3A_213 : memref<1x125x80xi32, #tpu.memory_space<hbm>> -> memref<125x80xi32, #tpu.memory_space<hbm>>
      tpu.enqueue_dma source(%dma_start3A_214 : memref<125x80xi32, #tpu.memory_space<hbm>>) target(%arg8 : memref<125x80xi32, #tpu.memory_space<vmem>>) target_semaphore(%run_scoped3A_206 : memref<!tpu.dma_semaphore, #tpu.memory_space<semaphore_mem>>)
      %dma_wait3A_215 = arith.constant 0 : i32
      %dma_wait3A_216 = arith.constant 0 : i32
      %dma_wait3A_217 = tpu.memref_slice %arg4[%add3A, %dma_wait3A_215, %dma_wait3A_216] : memref<32x125x80xi32, #tpu.memory_space<hbm>> -> memref<1x125x80xi32, #tpu.memory_space<hbm>>
      %dma_wait3A_218 = tpu.memref_squeeze %dma_wait3A_217 : memref<1x125x80xi32, #tpu.memory_space<hbm>> -> memref<125x80xi32, #tpu.memory_space<hbm>>
      %dma_wait3A_219 = arith.constant 0 : i32
      %dma_wait3A_220 = arith.constant 0 : i32
      %dma_wait3A_221 = tpu.memref_slice %arg4[%add3A, %dma_wait3A_219, %dma_wait3A_220] : memref<32x125x80xi32, #tpu.memory_space<hbm>> -> memref<1x125x80xi32, #tpu.memory_space<hbm>>
      %dma_wait3A_222 = tpu.memref_squeeze %dma_wait3A_221 : memref<1x125x80xi32, #tpu.memory_space<hbm>> -> memref<125x80xi32, #tpu.memory_space<hbm>>
      tpu.wait_dma2 semaphore(%run_scoped3A_206 : memref<!tpu.dma_semaphore, #tpu.memory_space<semaphore_mem>>) src(%dma_wait3A_222 : memref<125x80xi32, #tpu.memory_space<hbm>>) dst(%arg8 : memref<125x80xi32, #tpu.memory_space<vmem>>)
      tpu.yield
    }) : () -> ()
    "tpu.region"() ({
      %run_scoped3A_206 = tpu.sem_alloc : memref<!tpu.dma_semaphore, #tpu.memory_space<semaphore_mem>>
      %dma_start3A_207 = arith.constant 0 : i32
      %dma_start3A_208 = tpu.memref_slice %arg14[%mul3A_2, %dma_start3A_207] : memref<10240x64xf32, #tpu.memory_space<vmem_shared>> -> memref<640x64xf32, #tpu.memory_space<vmem_shared>>
      tpu.enqueue_dma source(%arg5 : memref<640x64xf32, #tpu.memory_space<hbm>>) target(%dma_start3A_208 : memref<640x64xf32, #tpu.memory_space<vmem_shared>>) target_semaphore(%run_scoped3A_206 : memref<!tpu.dma_semaphore, #tpu.memory_space<semaphore_mem>>)
      %dma_wait3A_209 = arith.constant 0 : i32
      %dma_wait3A_210 = tpu.memref_slice %arg14[%mul3A_2, %dma_wait3A_209] : memref<10240x64xf32, #tpu.memory_space<vmem_shared>> -> memref<640x64xf32, #tpu.memory_space<vmem_shared>>
      tpu.wait_dma2 semaphore(%run_scoped3A_206 : memref<!tpu.dma_semaphore, #tpu.memory_space<semaphore_mem>>) src(%arg5 : memref<640x64xf32, #tpu.memory_space<hbm>>) dst(%dma_wait3A_210 : memref<640x64xf32, #tpu.memory_space<vmem_shared>>)
      tpu.yield
    }) : () -> ()
    %dma_start3A = arith.constant 0 : i32
    %dma_start3A_3 = arith.constant 0 : i32
    %dma_start3A_4 = arith.constant 0 : i32
    %dma_start3A_5 = tpu.memref_slice %arg7[%dma_start3A_3, %dma_start3A_4] : memref<125x80xi32, #tpu.memory_space<vmem>> -> memref<1x80xi32, #tpu.memory_space<vmem>>
    %dma_start3A_6 = tpu.memref_squeeze %dma_start3A_5 : memref<1x80xi32, #tpu.memory_space<vmem>> -> memref<80xi32, #tpu.memory_space<vmem>>
    %dma_start3A_7 = arith.constant 0 : i32
    %dma_start3A_8 = arith.constant 0 : i32
    %dma_start3A_9 = tpu.memref_slice %arg2[%dma_start3A, %dma_start3A_7, %dma_start3A_8] : memref<2x10000x64xf32, #tpu.memory_space<hbm>> -> memref<1x10000x64xf32, #tpu.memory_space<hbm>>
    %dma_start3A_10 = tpu.memref_squeeze %dma_start3A_9 : memref<1x10000x64xf32, #tpu.memory_space<hbm>> -> memref<10000x64xf32, #tpu.memory_space<hbm>>
    %dma_start3A_11 = arith.constant 0 : i32
    %dma_start3A_12 = arith.constant 0 : i32
    %dma_start3A_13 = tpu.memref_slice %dma_start3A_10[%dma_start3A_11, %dma_start3A_12] : memref<10000x64xf32, #tpu.memory_space<hbm>> -> memref<10000x64xf32, #tpu.memory_space<hbm>>
    tpu.enqueue_indirect_dma source(%dma_start3A_13 : memref<10000x64xf32, #tpu.memory_space<hbm>>) target(%arg9 : memref<80x64xf32, #tpu.memory_space<vmem>>) offsets(%dma_start3A_6 : memref<80xi32, #tpu.memory_space<vmem>>) semaphore(%arg15 : memref<!tpu.dma_semaphore, #tpu.memory_space<semaphore_mem>>)
    %dma_start3A_14 = arith.constant 0 : i32
    %dma_start3A_15 = arith.constant 1 : i32
    %dma_start3A_16 = arith.constant 0 : i32
    %dma_start3A_17 = tpu.memref_slice %arg7[%dma_start3A_15, %dma_start3A_16] : memref<125x80xi32, #tpu.memory_space<vmem>> -> memref<1x80xi32, #tpu.memory_space<vmem>>
    %dma_start3A_18 = tpu.memref_squeeze %dma_start3A_17 : memref<1x80xi32, #tpu.memory_space<vmem>> -> memref<80xi32, #tpu.memory_space<vmem>>
    %dma_start3A_19 = arith.constant 0 : i32
    %dma_start3A_20 = arith.constant 0 : i32
    %dma_start3A_21 = tpu.memref_slice %arg2[%dma_start3A_14, %dma_start3A_19, %dma_start3A_20] : memref<2x10000x64xf32, #tpu.memory_space<hbm>> -> memref<1x10000x64xf32, #tpu.memory_space<hbm>>
    %dma_start3A_22 = tpu.memref_squeeze %dma_start3A_21 : memref<1x10000x64xf32, #tpu.memory_space<hbm>> -> memref<10000x64xf32, #tpu.memory_space<hbm>>
    %dma_start3A_23 = arith.constant 0 : i32
    %dma_start3A_24 = arith.constant 0 : i32
    %dma_start3A_25 = tpu.memref_slice %dma_start3A_22[%dma_start3A_23, %dma_start3A_24] : memref<10000x64xf32, #tpu.memory_space<hbm>> -> memref<10000x64xf32, #tpu.memory_space<hbm>>
    tpu.enqueue_indirect_dma source(%dma_start3A_25 : memref<10000x64xf32, #tpu.memory_space<hbm>>) target(%arg10 : memref<80x64xf32, #tpu.memory_space<vmem>>) offsets(%dma_start3A_18 : memref<80xi32, #tpu.memory_space<vmem>>) semaphore(%arg16 : memref<!tpu.dma_semaphore, #tpu.memory_space<semaphore_mem>>)
    %dma_start3A_26 = arith.constant 0 : i32
    %dma_start3A_27 = arith.constant 2 : i32
    %dma_start3A_28 = arith.constant 0 : i32
    %dma_start3A_29 = tpu.memref_slice %arg7[%dma_start3A_27, %dma_start3A_28] : memref<125x80xi32, #tpu.memory_space<vmem>> -> memref<1x80xi32, #tpu.memory_space<vmem>>
    %dma_start3A_30 = tpu.memref_squeeze %dma_start3A_29 : memref<1x80xi32, #tpu.memory_space<vmem>> -> memref<80xi32, #tpu.memory_space<vmem>>
    %dma_start3A_31 = arith.constant 0 : i32
    %dma_start3A_32 = arith.constant 0 : i32
    %dma_start3A_33 = tpu.memref_slice %arg2[%dma_start3A_26, %dma_start3A_31, %dma_start3A_32] : memref<2x10000x64xf32, #tpu.memory_space<hbm>> -> memref<1x10000x64xf32, #tpu.memory_space<hbm>>
    %dma_start3A_34 = tpu.memref_squeeze %dma_start3A_33 : memref<1x10000x64xf32, #tpu.memory_space<hbm>> -> memref<10000x64xf32, #tpu.memory_space<hbm>>
    %dma_start3A_35 = arith.constant 0 : i32
    %dma_start3A_36 = arith.constant 0 : i32
    %dma_start3A_37 = tpu.memref_slice %dma_start3A_34[%dma_start3A_35, %dma_start3A_36] : memref<10000x64xf32, #tpu.memory_space<hbm>> -> memref<10000x64xf32, #tpu.memory_space<hbm>>
    tpu.enqueue_indirect_dma source(%dma_start3A_37 : memref<10000x64xf32, #tpu.memory_space<hbm>>) target(%arg11 : memref<80x64xf32, #tpu.memory_space<vmem>>) offsets(%dma_start3A_30 : memref<80xi32, #tpu.memory_space<vmem>>) semaphore(%arg17 : memref<!tpu.dma_semaphore, #tpu.memory_space<semaphore_mem>>)
    %dma_start3A_38 = arith.constant 0 : i32
    %dma_start3A_39 = arith.constant 3 : i32
    %dma_start3A_40 = arith.constant 0 : i32
    %dma_start3A_41 = tpu.memref_slice %arg7[%dma_start3A_39, %dma_start3A_40] : memref<125x80xi32, #tpu.memory_space<vmem>> -> memref<1x80xi32, #tpu.memory_space<vmem>>
    %dma_start3A_42 = tpu.memref_squeeze %dma_start3A_41 : memref<1x80xi32, #tpu.memory_space<vmem>> -> memref<80xi32, #tpu.memory_space<vmem>>
    %dma_start3A_43 = arith.constant 0 : i32
    %dma_start3A_44 = arith.constant 0 : i32
    %dma_start3A_45 = tpu.memref_slice %arg2[%dma_start3A_38, %dma_start3A_43, %dma_start3A_44] : memref<2x10000x64xf32, #tpu.memory_space<hbm>> -> memref<1x10000x64xf32, #tpu.memory_space<hbm>>
    %dma_start3A_46 = tpu.memref_squeeze %dma_start3A_45 : memref<1x10000x64xf32, #tpu.memory_space<hbm>> -> memref<10000x64xf32, #tpu.memory_space<hbm>>
    %dma_start3A_47 = arith.constant 0 : i32
    %dma_start3A_48 = arith.constant 0 : i32
    %dma_start3A_49 = tpu.memref_slice %dma_start3A_46[%dma_start3A_47, %dma_start3A_48] : memref<10000x64xf32, #tpu.memory_space<hbm>> -> memref<10000x64xf32, #tpu.memory_space<hbm>>
    tpu.enqueue_indirect_dma source(%dma_start3A_49 : memref<10000x64xf32, #tpu.memory_space<hbm>>) target(%arg12 : memref<80x64xf32, #tpu.memory_space<vmem>>) offsets(%dma_start3A_42 : memref<80xi32, #tpu.memory_space<vmem>>) semaphore(%arg18 : memref<!tpu.dma_semaphore, #tpu.memory_space<semaphore_mem>>)
    %dma_start3A_50 = arith.constant 0 : i32
    %dma_start3A_51 = arith.constant 4 : i32
    %dma_start3A_52 = arith.constant 0 : i32
    %dma_start3A_53 = tpu.memref_slice %arg7[%dma_start3A_51, %dma_start3A_52] : memref<125x80xi32, #tpu.memory_space<vmem>> -> memref<1x80xi32, #tpu.memory_space<vmem>>
    %dma_start3A_54 = tpu.memref_squeeze %dma_start3A_53 : memref<1x80xi32, #tpu.memory_space<vmem>> -> memref<80xi32, #tpu.memory_space<vmem>>
    %dma_start3A_55 = arith.constant 0 : i32
    %dma_start3A_56 = arith.constant 0 : i32
    %dma_start3A_57 = tpu.memref_slice %arg2[%dma_start3A_50, %dma_start3A_55, %dma_start3A_56] : memref<2x10000x64xf32, #tpu.memory_space<hbm>> -> memref<1x10000x64xf32, #tpu.memory_space<hbm>>
    %dma_start3A_58 = tpu.memref_squeeze %dma_start3A_57 : memref<1x10000x64xf32, #tpu.memory_space<hbm>> -> memref<10000x64xf32, #tpu.memory_space<hbm>>
    %dma_start3A_59 = arith.constant 0 : i32
    %dma_start3A_60 = arith.constant 0 : i32
    %dma_start3A_61 = tpu.memref_slice %dma_start3A_58[%dma_start3A_59, %dma_start3A_60] : memref<10000x64xf32, #tpu.memory_space<hbm>> -> memref<10000x64xf32, #tpu.memory_space<hbm>>
    tpu.enqueue_indirect_dma source(%dma_start3A_61 : memref<10000x64xf32, #tpu.memory_space<hbm>>) target(%arg13 : memref<80x64xf32, #tpu.memory_space<vmem>>) offsets(%dma_start3A_54 : memref<80xi32, #tpu.memory_space<vmem>>) semaphore(%arg19 : memref<!tpu.dma_semaphore, #tpu.memory_space<semaphore_mem>>)
    %barrier3A = arith.constant 0 : index
    tpu.barrier barrier_id(%barrier3A)
    %scan3A = arith.constant 0 : i32
    %scan3A_62 = arith.constant 0 : i32
    %scan3A_63 = arith.constant 25 : i32
    %scan3A_64 = arith.addi %scan3A_62, %scan3A_63 : i32
    %scan3A_65 = arith.constant 1 : i32
    scf.for %scan3A_206 = %scan3A_62 to %scan3A_64 step %scan3A_65  : i32 {
      %mul3A_207 = arith.constant 5 : i32
      %mul3A_208 = arith.muli %scan3A_206, %mul3A_207 : i32
      %add3A_209 = arith.constant 0 : i32
      %add3A_210 = arith.addi %add3A_209, %mul3A_208 : i32
      %add3A_211 = arith.constant 0 : i32
      %add3A_212 = arith.addi %add3A_210, %add3A_211 : i32
      %dma_wait3A_213 = arith.constant 0 : i32
      %dma_wait3A_214 = tpu.memref_slice %arg7[%add3A_212, %dma_wait3A_213] : memref<125x80xi32, #tpu.memory_space<vmem>> -> memref<1x80xi32, #tpu.memory_space<vmem>>
      %dma_wait3A_215 = tpu.memref_squeeze %dma_wait3A_214 : memref<1x80xi32, #tpu.memory_space<vmem>> -> memref<80xi32, #tpu.memory_space<vmem>>
      %dma_wait3A_216 = arith.constant 0 : i32
      %dma_wait3A_217 = arith.constant 0 : i32
      %dma_wait3A_218 = tpu.memref_slice %arg2[%scan3A, %dma_wait3A_216, %dma_wait3A_217] : memref<2x10000x64xf32, #tpu.memory_space<hbm>> -> memref<1x10000x64xf32, #tpu.memory_space<hbm>>
      %dma_wait3A_219 = tpu.memref_squeeze %dma_wait3A_218 : memref<1x10000x64xf32, #tpu.memory_space<hbm>> -> memref<10000x64xf32, #tpu.memory_space<hbm>>
      %dma_wait3A_220 = arith.constant 0 : i32
      %dma_wait3A_221 = arith.constant 0 : i32
      %dma_wait3A_222 = tpu.memref_slice %dma_wait3A_219[%dma_wait3A_220, %dma_wait3A_221] : memref<10000x64xf32, #tpu.memory_space<hbm>> -> memref<10000x64xf32, #tpu.memory_space<hbm>>
      tpu.wait_indirect_dma semaphore(%arg15 : memref<!tpu.dma_semaphore, #tpu.memory_space<semaphore_mem>>) src(%dma_wait3A_222 : memref<10000x64xf32, #tpu.memory_space<hbm>>) dst(%arg9 : memref<80x64xf32, #tpu.memory_space<vmem>>)
      %dma_start3A_223 = arith.constant 0 : i32
      %dma_start3A_224 = tpu.memref_slice %arg8[%add3A_212, %dma_start3A_223] : memref<125x80xi32, #tpu.memory_space<vmem>> -> memref<1x80xi32, #tpu.memory_space<vmem>>
      %dma_start3A_225 = tpu.memref_squeeze %dma_start3A_224 : memref<1x80xi32, #tpu.memory_space<vmem>> -> memref<80xi32, #tpu.memory_space<vmem>>
      %dma_start3A_226 = arith.constant 0 : i32
      %dma_start3A_227 = arith.constant 0 : i32
      %dma_start3A_228 = tpu.memref_slice %arg14[%dma_start3A_226, %dma_start3A_227] : memref<10240x64xf32, #tpu.memory_space<vmem_shared>> -> memref<10240x64xf32, #tpu.memory_space<vmem_shared>>
      tpu.enqueue_indirect_dma source(%arg9 : memref<80x64xf32, #tpu.memory_space<vmem>>) target(%dma_start3A_228 : memref<10240x64xf32, #tpu.memory_space<vmem_shared>>) offsets(%dma_start3A_225 : memref<80xi32, #tpu.memory_space<vmem>>) semaphore(%arg20 : memref<!tpu.dma_semaphore, #tpu.memory_space<semaphore_mem>>) {add = true}
      %add3A_229 = arith.constant 5 : i32
      %add3A_230 = arith.addi %add3A_212, %add3A_229 : i32
      %lt3A = arith.constant 125 : i32
      %lt3A_231 = arith.cmpi slt, %add3A_230, %lt3A : i32
      %convert_element_type3A = arith.extui %lt3A_231 : i1 to i32
      %cond3A = arith.constant 0 : i32
      %cond3A_232 = arith.cmpi ne, %convert_element_type3A, %cond3A : i32
      scf.if %cond3A_232 {
        %dma_wait3A_333 = arith.constant 0 : i32
        %dma_wait3A_334 = tpu.memref_slice %arg8[%add3A_212, %dma_wait3A_333] : memref<125x80xi32, #tpu.memory_space<vmem>> -> memref<1x80xi32, #tpu.memory_space<vmem>>
        %dma_wait3A_335 = tpu.memref_squeeze %dma_wait3A_334 : memref<1x80xi32, #tpu.memory_space<vmem>> -> memref<80xi32, #tpu.memory_space<vmem>>
        %dma_wait3A_336 = arith.constant 0 : i32
        %dma_wait3A_337 = arith.constant 0 : i32
        %dma_wait3A_338 = tpu.memref_slice %arg14[%dma_wait3A_336, %dma_wait3A_337] : memref<10240x64xf32, #tpu.memory_space<vmem_shared>> -> memref<10240x64xf32, #tpu.memory_space<vmem_shared>>
        tpu.wait_indirect_dma semaphore(%arg20 : memref<!tpu.dma_semaphore, #tpu.memory_space<semaphore_mem>>) src(%arg9 : memref<80x64xf32, #tpu.memory_space<vmem>>) dst(%dma_wait3A_338 : memref<10240x64xf32, #tpu.memory_space<vmem_shared>>)
        %add3A_339 = arith.constant 5 : i32
        %add3A_340 = arith.addi %add3A_212, %add3A_339 : i32
        %dma_start3A_341 = arith.constant 0 : i32
        %dma_start3A_342 = tpu.memref_slice %arg7[%add3A_340, %dma_start3A_341] : memref<125x80xi32, #tpu.memory_space<vmem>> -> memref<1x80xi32, #tpu.memory_space<vmem>>
        %dma_start3A_343 = tpu.memref_squeeze %dma_start3A_342 : memref<1x80xi32, #tpu.memory_space<vmem>> -> memref<80xi32, #tpu.memory_space<vmem>>
        %dma_start3A_344 = arith.constant 0 : i32
        %dma_start3A_345 = arith.constant 0 : i32
        %dma_start3A_346 = tpu.memref_slice %arg2[%scan3A, %dma_start3A_344, %dma_start3A_345] : memref<2x10000x64xf32, #tpu.memory_space<hbm>> -> memref<1x10000x64xf32, #tpu.memory_space<hbm>>
        %dma_start3A_347 = tpu.memref_squeeze %dma_start3A_346 : memref<1x10000x64xf32, #tpu.memory_space<hbm>> -> memref<10000x64xf32, #tpu.memory_space<hbm>>
        %dma_start3A_348 = arith.constant 0 : i32
        %dma_start3A_349 = arith.constant 0 : i32
        %dma_start3A_350 = tpu.memref_slice %dma_start3A_347[%dma_start3A_348, %dma_start3A_349] : memref<10000x64xf32, #tpu.memory_space<hbm>> -> memref<10000x64xf32, #tpu.memory_space<hbm>>
        tpu.enqueue_indirect_dma source(%dma_start3A_350 : memref<10000x64xf32, #tpu.memory_space<hbm>>) target(%arg9 : memref<80x64xf32, #tpu.memory_space<vmem>>) offsets(%dma_start3A_343 : memref<80xi32, #tpu.memory_space<vmem>>) semaphore(%arg15 : memref<!tpu.dma_semaphore, #tpu.memory_space<semaphore_mem>>)
      } else {
      }
      %add3A_233 = arith.constant 1 : i32
      %add3A_234 = arith.addi %add3A_210, %add3A_233 : i32
      %dma_wait3A_235 = arith.constant 0 : i32
      %dma_wait3A_236 = tpu.memref_slice %arg7[%add3A_234, %dma_wait3A_235] : memref<125x80xi32, #tpu.memory_space<vmem>> -> memref<1x80xi32, #tpu.memory_space<vmem>>
      %dma_wait3A_237 = tpu.memref_squeeze %dma_wait3A_236 : memref<1x80xi32, #tpu.memory_space<vmem>> -> memref<80xi32, #tpu.memory_space<vmem>>
      %dma_wait3A_238 = arith.constant 0 : i32
      %dma_wait3A_239 = arith.constant 0 : i32
      %dma_wait3A_240 = tpu.memref_slice %arg2[%scan3A, %dma_wait3A_238, %dma_wait3A_239] : memref<2x10000x64xf32, #tpu.memory_space<hbm>> -> memref<1x10000x64xf32, #tpu.memory_space<hbm>>
      %dma_wait3A_241 = tpu.memref_squeeze %dma_wait3A_240 : memref<1x10000x64xf32, #tpu.memory_space<hbm>> -> memref<10000x64xf32, #tpu.memory_space<hbm>>
      %dma_wait3A_242 = arith.constant 0 : i32
      %dma_wait3A_243 = arith.constant 0 : i32
      %dma_wait3A_244 = tpu.memref_slice %dma_wait3A_241[%dma_wait3A_242, %dma_wait3A_243] : memref<10000x64xf32, #tpu.memory_space<hbm>> -> memref<10000x64xf32, #tpu.memory_space<hbm>>
      tpu.wait_indirect_dma semaphore(%arg16 : memref<!tpu.dma_semaphore, #tpu.memory_space<semaphore_mem>>) src(%dma_wait3A_244 : memref<10000x64xf32, #tpu.memory_space<hbm>>) dst(%arg10 : memref<80x64xf32, #tpu.memory_space<vmem>>)
      %dma_start3A_245 = arith.constant 0 : i32
      %dma_start3A_246 = tpu.memref_slice %arg8[%add3A_234, %dma_start3A_245] : memref<125x80xi32, #tpu.memory_space<vmem>> -> memref<1x80xi32, #tpu.memory_space<vmem>>
      %dma_start3A_247 = tpu.memref_squeeze %dma_start3A_246 : memref<1x80xi32, #tpu.memory_space<vmem>> -> memref<80xi32, #tpu.memory_space<vmem>>
      %dma_start3A_248 = arith.constant 0 : i32
      %dma_start3A_249 = arith.constant 0 : i32
      %dma_start3A_250 = tpu.memref_slice %arg14[%dma_start3A_248, %dma_start3A_249] : memref<10240x64xf32, #tpu.memory_space<vmem_shared>> -> memref<10240x64xf32, #tpu.memory_space<vmem_shared>>
      tpu.enqueue_indirect_dma source(%arg10 : memref<80x64xf32, #tpu.memory_space<vmem>>) target(%dma_start3A_250 : memref<10240x64xf32, #tpu.memory_space<vmem_shared>>) offsets(%dma_start3A_247 : memref<80xi32, #tpu.memory_space<vmem>>) semaphore(%arg21 : memref<!tpu.dma_semaphore, #tpu.memory_space<semaphore_mem>>) {add = true}
      %add3A_251 = arith.constant 5 : i32
      %add3A_252 = arith.addi %add3A_234, %add3A_251 : i32
      %lt3A_253 = arith.constant 125 : i32
      %lt3A_254 = arith.cmpi slt, %add3A_252, %lt3A_253 : i32
      %convert_element_type3A_255 = arith.extui %lt3A_254 : i1 to i32
      %cond3A_256 = arith.constant 0 : i32
      %cond3A_257 = arith.cmpi ne, %convert_element_type3A_255, %cond3A_256 : i32
      scf.if %cond3A_257 {
        %dma_wait3A_333 = arith.constant 0 : i32
        %dma_wait3A_334 = tpu.memref_slice %arg8[%add3A_234, %dma_wait3A_333] : memref<125x80xi32, #tpu.memory_space<vmem>> -> memref<1x80xi32, #tpu.memory_space<vmem>>
        %dma_wait3A_335 = tpu.memref_squeeze %dma_wait3A_334 : memref<1x80xi32, #tpu.memory_space<vmem>> -> memref<80xi32, #tpu.memory_space<vmem>>
        %dma_wait3A_336 = arith.constant 0 : i32
        %dma_wait3A_337 = arith.constant 0 : i32
        %dma_wait3A_338 = tpu.memref_slice %arg14[%dma_wait3A_336, %dma_wait3A_337] : memref<10240x64xf32, #tpu.memory_space<vmem_shared>> -> memref<10240x64xf32, #tpu.memory_space<vmem_shared>>
        tpu.wait_indirect_dma semaphore(%arg21 : memref<!tpu.dma_semaphore, #tpu.memory_space<semaphore_mem>>) src(%arg10 : memref<80x64xf32, #tpu.memory_space<vmem>>) dst(%dma_wait3A_338 : memref<10240x64xf32, #tpu.memory_space<vmem_shared>>)
        %add3A_339 = arith.constant 5 : i32
        %add3A_340 = arith.addi %add3A_234, %add3A_339 : i32
        %dma_start3A_341 = arith.constant 0 : i32
        %dma_start3A_342 = tpu.memref_slice %arg7[%add3A_340, %dma_start3A_341] : memref<125x80xi32, #tpu.memory_space<vmem>> -> memref<1x80xi32, #tpu.memory_space<vmem>>
        %dma_start3A_343 = tpu.memref_squeeze %dma_start3A_342 : memref<1x80xi32, #tpu.memory_space<vmem>> -> memref<80xi32, #tpu.memory_space<vmem>>
        %dma_start3A_344 = arith.constant 0 : i32
        %dma_start3A_345 = arith.constant 0 : i32
        %dma_start3A_346 = tpu.memref_slice %arg2[%scan3A, %dma_start3A_344, %dma_start3A_345] : memref<2x10000x64xf32, #tpu.memory_space<hbm>> -> memref<1x10000x64xf32, #tpu.memory_space<hbm>>
        %dma_start3A_347 = tpu.memref_squeeze %dma_start3A_346 : memref<1x10000x64xf32, #tpu.memory_space<hbm>> -> memref<10000x64xf32, #tpu.memory_space<hbm>>
        %dma_start3A_348 = arith.constant 0 : i32
        %dma_start3A_349 = arith.constant 0 : i32
        %dma_start3A_350 = tpu.memref_slice %dma_start3A_347[%dma_start3A_348, %dma_start3A_349] : memref<10000x64xf32, #tpu.memory_space<hbm>> -> memref<10000x64xf32, #tpu.memory_space<hbm>>
        tpu.enqueue_indirect_dma source(%dma_start3A_350 : memref<10000x64xf32, #tpu.memory_space<hbm>>) target(%arg10 : memref<80x64xf32, #tpu.memory_space<vmem>>) offsets(%dma_start3A_343 : memref<80xi32, #tpu.memory_space<vmem>>) semaphore(%arg16 : memref<!tpu.dma_semaphore, #tpu.memory_space<semaphore_mem>>)
      } else {
      }
      %add3A_258 = arith.constant 2 : i32
      %add3A_259 = arith.addi %add3A_210, %add3A_258 : i32
      %dma_wait3A_260 = arith.constant 0 : i32
      %dma_wait3A_261 = tpu.memref_slice %arg7[%add3A_259, %dma_wait3A_260] : memref<125x80xi32, #tpu.memory_space<vmem>> -> memref<1x80xi32, #tpu.memory_space<vmem>>
      %dma_wait3A_262 = tpu.memref_squeeze %dma_wait3A_261 : memref<1x80xi32, #tpu.memory_space<vmem>> -> memref<80xi32, #tpu.memory_space<vmem>>
      %dma_wait3A_263 = arith.constant 0 : i32
      %dma_wait3A_264 = arith.constant 0 : i32
      %dma_wait3A_265 = tpu.memref_slice %arg2[%scan3A, %dma_wait3A_263, %dma_wait3A_264] : memref<2x10000x64xf32, #tpu.memory_space<hbm>> -> memref<1x10000x64xf32, #tpu.memory_space<hbm>>
      %dma_wait3A_266 = tpu.memref_squeeze %dma_wait3A_265 : memref<1x10000x64xf32, #tpu.memory_space<hbm>> -> memref<10000x64xf32, #tpu.memory_space<hbm>>
      %dma_wait3A_267 = arith.constant 0 : i32
      %dma_wait3A_268 = arith.constant 0 : i32
      %dma_wait3A_269 = tpu.memref_slice %dma_wait3A_266[%dma_wait3A_267, %dma_wait3A_268] : memref<10000x64xf32, #tpu.memory_space<hbm>> -> memref<10000x64xf32, #tpu.memory_space<hbm>>
      tpu.wait_indirect_dma semaphore(%arg17 : memref<!tpu.dma_semaphore, #tpu.memory_space<semaphore_mem>>) src(%dma_wait3A_269 : memref<10000x64xf32, #tpu.memory_space<hbm>>) dst(%arg11 : memref<80x64xf32, #tpu.memory_space<vmem>>)
      %dma_start3A_270 = arith.constant 0 : i32
      %dma_start3A_271 = tpu.memref_slice %arg8[%add3A_259, %dma_start3A_270] : memref<125x80xi32, #tpu.memory_space<vmem>> -> memref<1x80xi32, #tpu.memory_space<vmem>>
      %dma_start3A_272 = tpu.memref_squeeze %dma_start3A_271 : memref<1x80xi32, #tpu.memory_space<vmem>> -> memref<80xi32, #tpu.memory_space<vmem>>
      %dma_start3A_273 = arith.constant 0 : i32
      %dma_start3A_274 = arith.constant 0 : i32
      %dma_start3A_275 = tpu.memref_slice %arg14[%dma_start3A_273, %dma_start3A_274] : memref<10240x64xf32, #tpu.memory_space<vmem_shared>> -> memref<10240x64xf32, #tpu.memory_space<vmem_shared>>
      tpu.enqueue_indirect_dma source(%arg11 : memref<80x64xf32, #tpu.memory_space<vmem>>) target(%dma_start3A_275 : memref<10240x64xf32, #tpu.memory_space<vmem_shared>>) offsets(%dma_start3A_272 : memref<80xi32, #tpu.memory_space<vmem>>) semaphore(%arg22 : memref<!tpu.dma_semaphore, #tpu.memory_space<semaphore_mem>>) {add = true}
      %add3A_276 = arith.constant 5 : i32
      %add3A_277 = arith.addi %add3A_259, %add3A_276 : i32
      %lt3A_278 = arith.constant 125 : i32
      %lt3A_279 = arith.cmpi slt, %add3A_277, %lt3A_278 : i32
      %convert_element_type3A_280 = arith.extui %lt3A_279 : i1 to i32
      %cond3A_281 = arith.constant 0 : i32
      %cond3A_282 = arith.cmpi ne, %convert_element_type3A_280, %cond3A_281 : i32
      scf.if %cond3A_282 {
        %dma_wait3A_333 = arith.constant 0 : i32
        %dma_wait3A_334 = tpu.memref_slice %arg8[%add3A_259, %dma_wait3A_333] : memref<125x80xi32, #tpu.memory_space<vmem>> -> memref<1x80xi32, #tpu.memory_space<vmem>>
        %dma_wait3A_335 = tpu.memref_squeeze %dma_wait3A_334 : memref<1x80xi32, #tpu.memory_space<vmem>> -> memref<80xi32, #tpu.memory_space<vmem>>
        %dma_wait3A_336 = arith.constant 0 : i32
        %dma_wait3A_337 = arith.constant 0 : i32
        %dma_wait3A_338 = tpu.memref_slice %arg14[%dma_wait3A_336, %dma_wait3A_337] : memref<10240x64xf32, #tpu.memory_space<vmem_shared>> -> memref<10240x64xf32, #tpu.memory_space<vmem_shared>>
        tpu.wait_indirect_dma semaphore(%arg22 : memref<!tpu.dma_semaphore, #tpu.memory_space<semaphore_mem>>) src(%arg11 : memref<80x64xf32, #tpu.memory_space<vmem>>) dst(%dma_wait3A_338 : memref<10240x64xf32, #tpu.memory_space<vmem_shared>>)
        %add3A_339 = arith.constant 5 : i32
        %add3A_340 = arith.addi %add3A_259, %add3A_339 : i32
        %dma_start3A_341 = arith.constant 0 : i32
        %dma_start3A_342 = tpu.memref_slice %arg7[%add3A_340, %dma_start3A_341] : memref<125x80xi32, #tpu.memory_space<vmem>> -> memref<1x80xi32, #tpu.memory_space<vmem>>
        %dma_start3A_343 = tpu.memref_squeeze %dma_start3A_342 : memref<1x80xi32, #tpu.memory_space<vmem>> -> memref<80xi32, #tpu.memory_space<vmem>>
        %dma_start3A_344 = arith.constant 0 : i32
        %dma_start3A_345 = arith.constant 0 : i32
        %dma_start3A_346 = tpu.memref_slice %arg2[%scan3A, %dma_start3A_344, %dma_start3A_345] : memref<2x10000x64xf32, #tpu.memory_space<hbm>> -> memref<1x10000x64xf32, #tpu.memory_space<hbm>>
        %dma_start3A_347 = tpu.memref_squeeze %dma_start3A_346 : memref<1x10000x64xf32, #tpu.memory_space<hbm>> -> memref<10000x64xf32, #tpu.memory_space<hbm>>
        %dma_start3A_348 = arith.constant 0 : i32
        %dma_start3A_349 = arith.constant 0 : i32
        %dma_start3A_350 = tpu.memref_slice %dma_start3A_347[%dma_start3A_348, %dma_start3A_349] : memref<10000x64xf32, #tpu.memory_space<hbm>> -> memref<10000x64xf32, #tpu.memory_space<hbm>>
        tpu.enqueue_indirect_dma source(%dma_start3A_350 : memref<10000x64xf32, #tpu.memory_space<hbm>>) target(%arg11 : memref<80x64xf32, #tpu.memory_space<vmem>>) offsets(%dma_start3A_343 : memref<80xi32, #tpu.memory_space<vmem>>) semaphore(%arg17 : memref<!tpu.dma_semaphore, #tpu.memory_space<semaphore_mem>>)
      } else {
      }
      %add3A_283 = arith.constant 3 : i32
      %add3A_284 = arith.addi %add3A_210, %add3A_283 : i32
      %dma_wait3A_285 = arith.constant 0 : i32
      %dma_wait3A_286 = tpu.memref_slice %arg7[%add3A_284, %dma_wait3A_285] : memref<125x80xi32, #tpu.memory_space<vmem>> -> memref<1x80xi32, #tpu.memory_space<vmem>>
      %dma_wait3A_287 = tpu.memref_squeeze %dma_wait3A_286 : memref<1x80xi32, #tpu.memory_space<vmem>> -> memref<80xi32, #tpu.memory_space<vmem>>
      %dma_wait3A_288 = arith.constant 0 : i32
      %dma_wait3A_289 = arith.constant 0 : i32
      %dma_wait3A_290 = tpu.memref_slice %arg2[%scan3A, %dma_wait3A_288, %dma_wait3A_289] : memref<2x10000x64xf32, #tpu.memory_space<hbm>> -> memref<1x10000x64xf32, #tpu.memory_space<hbm>>
      %dma_wait3A_291 = tpu.memref_squeeze %dma_wait3A_290 : memref<1x10000x64xf32, #tpu.memory_space<hbm>> -> memref<10000x64xf32, #tpu.memory_space<hbm>>
      %dma_wait3A_292 = arith.constant 0 : i32
      %dma_wait3A_293 = arith.constant 0 : i32
      %dma_wait3A_294 = tpu.memref_slice %dma_wait3A_291[%dma_wait3A_292, %dma_wait3A_293] : memref<10000x64xf32, #tpu.memory_space<hbm>> -> memref<10000x64xf32, #tpu.memory_space<hbm>>
      tpu.wait_indirect_dma semaphore(%arg18 : memref<!tpu.dma_semaphore, #tpu.memory_space<semaphore_mem>>) src(%dma_wait3A_294 : memref<10000x64xf32, #tpu.memory_space<hbm>>) dst(%arg12 : memref<80x64xf32, #tpu.memory_space<vmem>>)
      %dma_start3A_295 = arith.constant 0 : i32
      %dma_start3A_296 = tpu.memref_slice %arg8[%add3A_284, %dma_start3A_295] : memref<125x80xi32, #tpu.memory_space<vmem>> -> memref<1x80xi32, #tpu.memory_space<vmem>>
      %dma_start3A_297 = tpu.memref_squeeze %dma_start3A_296 : memref<1x80xi32, #tpu.memory_space<vmem>> -> memref<80xi32, #tpu.memory_space<vmem>>
      %dma_start3A_298 = arith.constant 0 : i32
      %dma_start3A_299 = arith.constant 0 : i32
      %dma_start3A_300 = tpu.memref_slice %arg14[%dma_start3A_298, %dma_start3A_299] : memref<10240x64xf32, #tpu.memory_space<vmem_shared>> -> memref<10240x64xf32, #tpu.memory_space<vmem_shared>>
      tpu.enqueue_indirect_dma source(%arg12 : memref<80x64xf32, #tpu.memory_space<vmem>>) target(%dma_start3A_300 : memref<10240x64xf32, #tpu.memory_space<vmem_shared>>) offsets(%dma_start3A_297 : memref<80xi32, #tpu.memory_space<vmem>>) semaphore(%arg23 : memref<!tpu.dma_semaphore, #tpu.memory_space<semaphore_mem>>) {add = true}
      %add3A_301 = arith.constant 5 : i32
      %add3A_302 = arith.addi %add3A_284, %add3A_301 : i32
      %lt3A_303 = arith.constant 125 : i32
      %lt3A_304 = arith.cmpi slt, %add3A_302, %lt3A_303 : i32
      %convert_element_type3A_305 = arith.extui %lt3A_304 : i1 to i32
      %cond3A_306 = arith.constant 0 : i32
      %cond3A_307 = arith.cmpi ne, %convert_element_type3A_305, %cond3A_306 : i32
      scf.if %cond3A_307 {
        %dma_wait3A_333 = arith.constant 0 : i32
        %dma_wait3A_334 = tpu.memref_slice %arg8[%add3A_284, %dma_wait3A_333] : memref<125x80xi32, #tpu.memory_space<vmem>> -> memref<1x80xi32, #tpu.memory_space<vmem>>
        %dma_wait3A_335 = tpu.memref_squeeze %dma_wait3A_334 : memref<1x80xi32, #tpu.memory_space<vmem>> -> memref<80xi32, #tpu.memory_space<vmem>>
        %dma_wait3A_336 = arith.constant 0 : i32
        %dma_wait3A_337 = arith.constant 0 : i32
        %dma_wait3A_338 = tpu.memref_slice %arg14[%dma_wait3A_336, %dma_wait3A_337] : memref<10240x64xf32, #tpu.memory_space<vmem_shared>> -> memref<10240x64xf32, #tpu.memory_space<vmem_shared>>
        tpu.wait_indirect_dma semaphore(%arg23 : memref<!tpu.dma_semaphore, #tpu.memory_space<semaphore_mem>>) src(%arg12 : memref<80x64xf32, #tpu.memory_space<vmem>>) dst(%dma_wait3A_338 : memref<10240x64xf32, #tpu.memory_space<vmem_shared>>)
        %add3A_339 = arith.constant 5 : i32
        %add3A_340 = arith.addi %add3A_284, %add3A_339 : i32
        %dma_start3A_341 = arith.constant 0 : i32
        %dma_start3A_342 = tpu.memref_slice %arg7[%add3A_340, %dma_start3A_341] : memref<125x80xi32, #tpu.memory_space<vmem>> -> memref<1x80xi32, #tpu.memory_space<vmem>>
        %dma_start3A_343 = tpu.memref_squeeze %dma_start3A_342 : memref<1x80xi32, #tpu.memory_space<vmem>> -> memref<80xi32, #tpu.memory_space<vmem>>
        %dma_start3A_344 = arith.constant 0 : i32
        %dma_start3A_345 = arith.constant 0 : i32
        %dma_start3A_346 = tpu.memref_slice %arg2[%scan3A, %dma_start3A_344, %dma_start3A_345] : memref<2x10000x64xf32, #tpu.memory_space<hbm>> -> memref<1x10000x64xf32, #tpu.memory_space<hbm>>
        %dma_start3A_347 = tpu.memref_squeeze %dma_start3A_346 : memref<1x10000x64xf32, #tpu.memory_space<hbm>> -> memref<10000x64xf32, #tpu.memory_space<hbm>>
        %dma_start3A_348 = arith.constant 0 : i32
        %dma_start3A_349 = arith.constant 0 : i32
        %dma_start3A_350 = tpu.memref_slice %dma_start3A_347[%dma_start3A_348, %dma_start3A_349] : memref<10000x64xf32, #tpu.memory_space<hbm>> -> memref<10000x64xf32, #tpu.memory_space<hbm>>
        tpu.enqueue_indirect_dma source(%dma_start3A_350 : memref<10000x64xf32, #tpu.memory_space<hbm>>) target(%arg12 : memref<80x64xf32, #tpu.memory_space<vmem>>) offsets(%dma_start3A_343 : memref<80xi32, #tpu.memory_space<vmem>>) semaphore(%arg18 : memref<!tpu.dma_semaphore, #tpu.memory_space<semaphore_mem>>)
      } else {
      }
      %add3A_308 = arith.constant 4 : i32
      %add3A_309 = arith.addi %add3A_210, %add3A_308 : i32
      %dma_wait3A_310 = arith.constant 0 : i32
      %dma_wait3A_311 = tpu.memref_slice %arg7[%add3A_309, %dma_wait3A_310] : memref<125x80xi32, #tpu.memory_space<vmem>> -> memref<1x80xi32, #tpu.memory_space<vmem>>
      %dma_wait3A_312 = tpu.memref_squeeze %dma_wait3A_311 : memref<1x80xi32, #tpu.memory_space<vmem>> -> memref<80xi32, #tpu.memory_space<vmem>>
      %dma_wait3A_313 = arith.constant 0 : i32
      %dma_wait3A_314 = arith.constant 0 : i32
      %dma_wait3A_315 = tpu.memref_slice %arg2[%scan3A, %dma_wait3A_313, %dma_wait3A_314] : memref<2x10000x64xf32, #tpu.memory_space<hbm>> -> memref<1x10000x64xf32, #tpu.memory_space<hbm>>
      %dma_wait3A_316 = tpu.memref_squeeze %dma_wait3A_315 : memref<1x10000x64xf32, #tpu.memory_space<hbm>> -> memref<10000x64xf32, #tpu.memory_space<hbm>>
      %dma_wait3A_317 = arith.constant 0 : i32
      %dma_wait3A_318 = arith.constant 0 : i32
      %dma_wait3A_319 = tpu.memref_slice %dma_wait3A_316[%dma_wait3A_317, %dma_wait3A_318] : memref<10000x64xf32, #tpu.memory_space<hbm>> -> memref<10000x64xf32, #tpu.memory_space<hbm>>
      tpu.wait_indirect_dma semaphore(%arg19 : memref<!tpu.dma_semaphore, #tpu.memory_space<semaphore_mem>>) src(%dma_wait3A_319 : memref<10000x64xf32, #tpu.memory_space<hbm>>) dst(%arg13 : memref<80x64xf32, #tpu.memory_space<vmem>>)
      %dma_start3A_320 = arith.constant 0 : i32
      %dma_start3A_321 = tpu.memref_slice %arg8[%add3A_309, %dma_start3A_320] : memref<125x80xi32, #tpu.memory_space<vmem>> -> memref<1x80xi32, #tpu.memory_space<vmem>>
      %dma_start3A_322 = tpu.memref_squeeze %dma_start3A_321 : memref<1x80xi32, #tpu.memory_space<vmem>> -> memref<80xi32, #tpu.memory_space<vmem>>
      %dma_start3A_323 = arith.constant 0 : i32
      %dma_start3A_324 = arith.constant 0 : i32
      %dma_start3A_325 = tpu.memref_slice %arg14[%dma_start3A_323, %dma_start3A_324] : memref<10240x64xf32, #tpu.memory_space<vmem_shared>> -> memref<10240x64xf32, #tpu.memory_space<vmem_shared>>
      tpu.enqueue_indirect_dma source(%arg13 : memref<80x64xf32, #tpu.memory_space<vmem>>) target(%dma_start3A_325 : memref<10240x64xf32, #tpu.memory_space<vmem_shared>>) offsets(%dma_start3A_322 : memref<80xi32, #tpu.memory_space<vmem>>) semaphore(%arg24 : memref<!tpu.dma_semaphore, #tpu.memory_space<semaphore_mem>>) {add = true}
      %add3A_326 = arith.constant 5 : i32
      %add3A_327 = arith.addi %add3A_309, %add3A_326 : i32
      %lt3A_328 = arith.constant 125 : i32
      %lt3A_329 = arith.cmpi slt, %add3A_327, %lt3A_328 : i32
      %convert_element_type3A_330 = arith.extui %lt3A_329 : i1 to i32
      %cond3A_331 = arith.constant 0 : i32
      %cond3A_332 = arith.cmpi ne, %convert_element_type3A_330, %cond3A_331 : i32
      scf.if %cond3A_332 {
        %dma_wait3A_333 = arith.constant 0 : i32
        %dma_wait3A_334 = tpu.memref_slice %arg8[%add3A_309, %dma_wait3A_333] : memref<125x80xi32, #tpu.memory_space<vmem>> -> memref<1x80xi32, #tpu.memory_space<vmem>>
        %dma_wait3A_335 = tpu.memref_squeeze %dma_wait3A_334 : memref<1x80xi32, #tpu.memory_space<vmem>> -> memref<80xi32, #tpu.memory_space<vmem>>
        %dma_wait3A_336 = arith.constant 0 : i32
        %dma_wait3A_337 = arith.constant 0 : i32
        %dma_wait3A_338 = tpu.memref_slice %arg14[%dma_wait3A_336, %dma_wait3A_337] : memref<10240x64xf32, #tpu.memory_space<vmem_shared>> -> memref<10240x64xf32, #tpu.memory_space<vmem_shared>>
        tpu.wait_indirect_dma semaphore(%arg24 : memref<!tpu.dma_semaphore, #tpu.memory_space<semaphore_mem>>) src(%arg13 : memref<80x64xf32, #tpu.memory_space<vmem>>) dst(%dma_wait3A_338 : memref<10240x64xf32, #tpu.memory_space<vmem_shared>>)
        %add3A_339 = arith.constant 5 : i32
        %add3A_340 = arith.addi %add3A_309, %add3A_339 : i32
        %dma_start3A_341 = arith.constant 0 : i32
        %dma_start3A_342 = tpu.memref_slice %arg7[%add3A_340, %dma_start3A_341] : memref<125x80xi32, #tpu.memory_space<vmem>> -> memref<1x80xi32, #tpu.memory_space<vmem>>
        %dma_start3A_343 = tpu.memref_squeeze %dma_start3A_342 : memref<1x80xi32, #tpu.memory_space<vmem>> -> memref<80xi32, #tpu.memory_space<vmem>>
        %dma_start3A_344 = arith.constant 0 : i32
        %dma_start3A_345 = arith.constant 0 : i32
        %dma_start3A_346 = tpu.memref_slice %arg2[%scan3A, %dma_start3A_344, %dma_start3A_345] : memref<2x10000x64xf32, #tpu.memory_space<hbm>> -> memref<1x10000x64xf32, #tpu.memory_space<hbm>>
        %dma_start3A_347 = tpu.memref_squeeze %dma_start3A_346 : memref<1x10000x64xf32, #tpu.memory_space<hbm>> -> memref<10000x64xf32, #tpu.memory_space<hbm>>
        %dma_start3A_348 = arith.constant 0 : i32
        %dma_start3A_349 = arith.constant 0 : i32
        %dma_start3A_350 = tpu.memref_slice %dma_start3A_347[%dma_start3A_348, %dma_start3A_349] : memref<10000x64xf32, #tpu.memory_space<hbm>> -> memref<10000x64xf32, #tpu.memory_space<hbm>>
        tpu.enqueue_indirect_dma source(%dma_start3A_350 : memref<10000x64xf32, #tpu.memory_space<hbm>>) target(%arg13 : memref<80x64xf32, #tpu.memory_space<vmem>>) offsets(%dma_start3A_343 : memref<80xi32, #tpu.memory_space<vmem>>) semaphore(%arg19 : memref<!tpu.dma_semaphore, #tpu.memory_space<semaphore_mem>>)
      } else {
      }
    }
    %scan3A_66 = arith.constant 25 : i32
    %dma_wait3A = arith.constant 120 : i32
    %dma_wait3A_67 = arith.constant 0 : i32
    %dma_wait3A_68 = tpu.memref_slice %arg8[%dma_wait3A, %dma_wait3A_67] : memref<125x80xi32, #tpu.memory_space<vmem>> -> memref<1x80xi32, #tpu.memory_space<vmem>>
    %dma_wait3A_69 = tpu.memref_squeeze %dma_wait3A_68 : memref<1x80xi32, #tpu.memory_space<vmem>> -> memref<80xi32, #tpu.memory_space<vmem>>
    %dma_wait3A_70 = arith.constant 0 : i32
    %dma_wait3A_71 = arith.constant 0 : i32
    %dma_wait3A_72 = tpu.memref_slice %arg14[%dma_wait3A_70, %dma_wait3A_71] : memref<10240x64xf32, #tpu.memory_space<vmem_shared>> -> memref<10240x64xf32, #tpu.memory_space<vmem_shared>>
    tpu.wait_indirect_dma semaphore(%arg20 : memref<!tpu.dma_semaphore, #tpu.memory_space<semaphore_mem>>) src(%arg9 : memref<80x64xf32, #tpu.memory_space<vmem>>) dst(%dma_wait3A_72 : memref<10240x64xf32, #tpu.memory_space<vmem_shared>>)
    %dma_wait3A_73 = arith.constant 121 : i32
    %dma_wait3A_74 = arith.constant 0 : i32
    %dma_wait3A_75 = tpu.memref_slice %arg8[%dma_wait3A_73, %dma_wait3A_74] : memref<125x80xi32, #tpu.memory_space<vmem>> -> memref<1x80xi32, #tpu.memory_space<vmem>>
    %dma_wait3A_76 = tpu.memref_squeeze %dma_wait3A_75 : memref<1x80xi32, #tpu.memory_space<vmem>> -> memref<80xi32, #tpu.memory_space<vmem>>
    %dma_wait3A_77 = arith.constant 0 : i32
    %dma_wait3A_78 = arith.constant 0 : i32
    %dma_wait3A_79 = tpu.memref_slice %arg14[%dma_wait3A_77, %dma_wait3A_78] : memref<10240x64xf32, #tpu.memory_space<vmem_shared>> -> memref<10240x64xf32, #tpu.memory_space<vmem_shared>>
    tpu.wait_indirect_dma semaphore(%arg21 : memref<!tpu.dma_semaphore, #tpu.memory_space<semaphore_mem>>) src(%arg10 : memref<80x64xf32, #tpu.memory_space<vmem>>) dst(%dma_wait3A_79 : memref<10240x64xf32, #tpu.memory_space<vmem_shared>>)
    %dma_wait3A_80 = arith.constant 122 : i32
    %dma_wait3A_81 = arith.constant 0 : i32
    %dma_wait3A_82 = tpu.memref_slice %arg8[%dma_wait3A_80, %dma_wait3A_81] : memref<125x80xi32, #tpu.memory_space<vmem>> -> memref<1x80xi32, #tpu.memory_space<vmem>>
    %dma_wait3A_83 = tpu.memref_squeeze %dma_wait3A_82 : memref<1x80xi32, #tpu.memory_space<vmem>> -> memref<80xi32, #tpu.memory_space<vmem>>
    %dma_wait3A_84 = arith.constant 0 : i32
    %dma_wait3A_85 = arith.constant 0 : i32
    %dma_wait3A_86 = tpu.memref_slice %arg14[%dma_wait3A_84, %dma_wait3A_85] : memref<10240x64xf32, #tpu.memory_space<vmem_shared>> -> memref<10240x64xf32, #tpu.memory_space<vmem_shared>>
    tpu.wait_indirect_dma semaphore(%arg22 : memref<!tpu.dma_semaphore, #tpu.memory_space<semaphore_mem>>) src(%arg11 : memref<80x64xf32, #tpu.memory_space<vmem>>) dst(%dma_wait3A_86 : memref<10240x64xf32, #tpu.memory_space<vmem_shared>>)
    %dma_wait3A_87 = arith.constant 123 : i32
    %dma_wait3A_88 = arith.constant 0 : i32
    %dma_wait3A_89 = tpu.memref_slice %arg8[%dma_wait3A_87, %dma_wait3A_88] : memref<125x80xi32, #tpu.memory_space<vmem>> -> memref<1x80xi32, #tpu.memory_space<vmem>>
    %dma_wait3A_90 = tpu.memref_squeeze %dma_wait3A_89 : memref<1x80xi32, #tpu.memory_space<vmem>> -> memref<80xi32, #tpu.memory_space<vmem>>
    %dma_wait3A_91 = arith.constant 0 : i32
    %dma_wait3A_92 = arith.constant 0 : i32
    %dma_wait3A_93 = tpu.memref_slice %arg14[%dma_wait3A_91, %dma_wait3A_92] : memref<10240x64xf32, #tpu.memory_space<vmem_shared>> -> memref<10240x64xf32, #tpu.memory_space<vmem_shared>>
    tpu.wait_indirect_dma semaphore(%arg23 : memref<!tpu.dma_semaphore, #tpu.memory_space<semaphore_mem>>) src(%arg12 : memref<80x64xf32, #tpu.memory_space<vmem>>) dst(%dma_wait3A_93 : memref<10240x64xf32, #tpu.memory_space<vmem_shared>>)
    %dma_wait3A_94 = arith.constant 124 : i32
    %dma_wait3A_95 = arith.constant 0 : i32
    %dma_wait3A_96 = tpu.memref_slice %arg8[%dma_wait3A_94, %dma_wait3A_95] : memref<125x80xi32, #tpu.memory_space<vmem>> -> memref<1x80xi32, #tpu.memory_space<vmem>>
    %dma_wait3A_97 = tpu.memref_squeeze %dma_wait3A_96 : memref<1x80xi32, #tpu.memory_space<vmem>> -> memref<80xi32, #tpu.memory_space<vmem>>
    %dma_wait3A_98 = arith.constant 0 : i32
    %dma_wait3A_99 = arith.constant 0 : i32
    %dma_wait3A_100 = tpu.memref_slice %arg14[%dma_wait3A_98, %dma_wait3A_99] : memref<10240x64xf32, #tpu.memory_space<vmem_shared>> -> memref<10240x64xf32, #tpu.memory_space<vmem_shared>>
    tpu.wait_indirect_dma semaphore(%arg24 : memref<!tpu.dma_semaphore, #tpu.memory_space<semaphore_mem>>) src(%arg13 : memref<80x64xf32, #tpu.memory_space<vmem>>) dst(%dma_wait3A_100 : memref<10240x64xf32, #tpu.memory_space<vmem_shared>>)
    %barrier3A_101 = arith.constant 0 : index
    tpu.barrier barrier_id(%barrier3A_101)
    %run_scoped3A = arith.constant 0 : i32
    "tpu.region"() ({
      %run_scoped3A_206 = tpu.sem_alloc : memref<!tpu.dma_semaphore, #tpu.memory_space<semaphore_mem>>
      %dma_start3A_207 = arith.constant 0 : i32
      %dma_start3A_208 = tpu.memref_slice %arg6[%run_scoped3A, %arg0, %mul3A_2, %dma_start3A_207] : memref<2x2x10240x64xf32, #tpu.memory_space<hbm>> -> memref<1x1x640x64xf32, #tpu.memory_space<hbm>>
      %dma_start3A_209 = tpu.memref_squeeze %dma_start3A_208 : memref<1x1x640x64xf32, #tpu.memory_space<hbm>> -> memref<640x64xf32, #tpu.memory_space<hbm>>
      %dma_start3A_210 = arith.constant 0 : i32
      %dma_start3A_211 = tpu.memref_slice %arg14[%mul3A_2, %dma_start3A_210] : memref<10240x64xf32, #tpu.memory_space<vmem_shared>> -> memref<640x64xf32, #tpu.memory_space<vmem_shared>>
      tpu.enqueue_dma source(%dma_start3A_211 : memref<640x64xf32, #tpu.memory_space<vmem_shared>>) target(%dma_start3A_209 : memref<640x64xf32, #tpu.memory_space<hbm>>) target_semaphore(%run_scoped3A_206 : memref<!tpu.dma_semaphore, #tpu.memory_space<semaphore_mem>>)
      %dma_wait3A_212 = arith.constant 0 : i32
      %dma_wait3A_213 = tpu.memref_slice %arg6[%run_scoped3A, %arg0, %mul3A_2, %dma_wait3A_212] : memref<2x2x10240x64xf32, #tpu.memory_space<hbm>> -> memref<1x1x640x64xf32, #tpu.memory_space<hbm>>
      %dma_wait3A_214 = tpu.memref_squeeze %dma_wait3A_213 : memref<1x1x640x64xf32, #tpu.memory_space<hbm>> -> memref<640x64xf32, #tpu.memory_space<hbm>>
      %dma_wait3A_215 = arith.constant 0 : i32
      %dma_wait3A_216 = tpu.memref_slice %arg14[%mul3A_2, %dma_wait3A_215] : memref<10240x64xf32, #tpu.memory_space<vmem_shared>> -> memref<640x64xf32, #tpu.memory_space<vmem_shared>>
      tpu.wait_dma2 semaphore(%run_scoped3A_206 : memref<!tpu.dma_semaphore, #tpu.memory_space<semaphore_mem>>) src(%dma_wait3A_216 : memref<640x64xf32, #tpu.memory_space<vmem_shared>>) dst(%dma_wait3A_214 : memref<640x64xf32, #tpu.memory_space<hbm>>)
      tpu.yield
    }) : () -> ()
    "tpu.region"() ({
      %run_scoped3A_206 = tpu.sem_alloc : memref<!tpu.dma_semaphore, #tpu.memory_space<semaphore_mem>>
      %dma_start3A_207 = arith.constant 0 : i32
      %dma_start3A_208 = tpu.memref_slice %arg14[%mul3A_2, %dma_start3A_207] : memref<10240x64xf32, #tpu.memory_space<vmem_shared>> -> memref<640x64xf32, #tpu.memory_space<vmem_shared>>
      tpu.enqueue_dma source(%arg5 : memref<640x64xf32, #tpu.memory_space<hbm>>) target(%dma_start3A_208 : memref<640x64xf32, #tpu.memory_space<vmem_shared>>) target_semaphore(%run_scoped3A_206 : memref<!tpu.dma_semaphore, #tpu.memory_space<semaphore_mem>>)
      %dma_wait3A_209 = arith.constant 0 : i32
      %dma_wait3A_210 = tpu.memref_slice %arg14[%mul3A_2, %dma_wait3A_209] : memref<10240x64xf32, #tpu.memory_space<vmem_shared>> -> memref<640x64xf32, #tpu.memory_space<vmem_shared>>
      tpu.wait_dma2 semaphore(%run_scoped3A_206 : memref<!tpu.dma_semaphore, #tpu.memory_space<semaphore_mem>>) src(%arg5 : memref<640x64xf32, #tpu.memory_space<hbm>>) dst(%dma_wait3A_210 : memref<640x64xf32, #tpu.memory_space<vmem_shared>>)
      tpu.yield
    }) : () -> ()
    %dma_start3A_102 = arith.constant 1 : i32
    %dma_start3A_103 = arith.constant 0 : i32
    %dma_start3A_104 = arith.constant 0 : i32
    %dma_start3A_105 = tpu.memref_slice %arg7[%dma_start3A_103, %dma_start3A_104] : memref<125x80xi32, #tpu.memory_space<vmem>> -> memref<1x80xi32, #tpu.memory_space<vmem>>
    %dma_start3A_106 = tpu.memref_squeeze %dma_start3A_105 : memref<1x80xi32, #tpu.memory_space<vmem>> -> memref<80xi32, #tpu.memory_space<vmem>>
    %dma_start3A_107 = arith.constant 0 : i32
    %dma_start3A_108 = arith.constant 0 : i32
    %dma_start3A_109 = tpu.memref_slice %arg2[%dma_start3A_102, %dma_start3A_107, %dma_start3A_108] : memref<2x10000x64xf32, #tpu.memory_space<hbm>> -> memref<1x10000x64xf32, #tpu.memory_space<hbm>>
    %dma_start3A_110 = tpu.memref_squeeze %dma_start3A_109 : memref<1x10000x64xf32, #tpu.memory_space<hbm>> -> memref<10000x64xf32, #tpu.memory_space<hbm>>
    %dma_start3A_111 = arith.constant 0 : i32
    %dma_start3A_112 = arith.constant 0 : i32
    %dma_start3A_113 = tpu.memref_slice %dma_start3A_110[%dma_start3A_111, %dma_start3A_112] : memref<10000x64xf32, #tpu.memory_space<hbm>> -> memref<10000x64xf32, #tpu.memory_space<hbm>>
    tpu.enqueue_indirect_dma source(%dma_start3A_113 : memref<10000x64xf32, #tpu.memory_space<hbm>>) target(%arg9 : memref<80x64xf32, #tpu.memory_space<vmem>>) offsets(%dma_start3A_106 : memref<80xi32, #tpu.memory_space<vmem>>) semaphore(%arg15 : memref<!tpu.dma_semaphore, #tpu.memory_space<semaphore_mem>>)
    %dma_start3A_114 = arith.constant 1 : i32
    %dma_start3A_115 = arith.constant 1 : i32
    %dma_start3A_116 = arith.constant 0 : i32
    %dma_start3A_117 = tpu.memref_slice %arg7[%dma_start3A_115, %dma_start3A_116] : memref<125x80xi32, #tpu.memory_space<vmem>> -> memref<1x80xi32, #tpu.memory_space<vmem>>
    %dma_start3A_118 = tpu.memref_squeeze %dma_start3A_117 : memref<1x80xi32, #tpu.memory_space<vmem>> -> memref<80xi32, #tpu.memory_space<vmem>>
    %dma_start3A_119 = arith.constant 0 : i32
    %dma_start3A_120 = arith.constant 0 : i32
    %dma_start3A_121 = tpu.memref_slice %arg2[%dma_start3A_114, %dma_start3A_119, %dma_start3A_120] : memref<2x10000x64xf32, #tpu.memory_space<hbm>> -> memref<1x10000x64xf32, #tpu.memory_space<hbm>>
    %dma_start3A_122 = tpu.memref_squeeze %dma_start3A_121 : memref<1x10000x64xf32, #tpu.memory_space<hbm>> -> memref<10000x64xf32, #tpu.memory_space<hbm>>
    %dma_start3A_123 = arith.constant 0 : i32
    %dma_start3A_124 = arith.constant 0 : i32
    %dma_start3A_125 = tpu.memref_slice %dma_start3A_122[%dma_start3A_123, %dma_start3A_124] : memref<10000x64xf32, #tpu.memory_space<hbm>> -> memref<10000x64xf32, #tpu.memory_space<hbm>>
    tpu.enqueue_indirect_dma source(%dma_start3A_125 : memref<10000x64xf32, #tpu.memory_space<hbm>>) target(%arg10 : memref<80x64xf32, #tpu.memory_space<vmem>>) offsets(%dma_start3A_118 : memref<80xi32, #tpu.memory_space<vmem>>) semaphore(%arg16 : memref<!tpu.dma_semaphore, #tpu.memory_space<semaphore_mem>>)
    %dma_start3A_126 = arith.constant 1 : i32
    %dma_start3A_127 = arith.constant 2 : i32
    %dma_start3A_128 = arith.constant 0 : i32
    %dma_start3A_129 = tpu.memref_slice %arg7[%dma_start3A_127, %dma_start3A_128] : memref<125x80xi32, #tpu.memory_space<vmem>> -> memref<1x80xi32, #tpu.memory_space<vmem>>
    %dma_start3A_130 = tpu.memref_squeeze %dma_start3A_129 : memref<1x80xi32, #tpu.memory_space<vmem>> -> memref<80xi32, #tpu.memory_space<vmem>>
    %dma_start3A_131 = arith.constant 0 : i32
    %dma_start3A_132 = arith.constant 0 : i32
    %dma_start3A_133 = tpu.memref_slice %arg2[%dma_start3A_126, %dma_start3A_131, %dma_start3A_132] : memref<2x10000x64xf32, #tpu.memory_space<hbm>> -> memref<1x10000x64xf32, #tpu.memory_space<hbm>>
    %dma_start3A_134 = tpu.memref_squeeze %dma_start3A_133 : memref<1x10000x64xf32, #tpu.memory_space<hbm>> -> memref<10000x64xf32, #tpu.memory_space<hbm>>
    %dma_start3A_135 = arith.constant 0 : i32
    %dma_start3A_136 = arith.constant 0 : i32
    %dma_start3A_137 = tpu.memref_slice %dma_start3A_134[%dma_start3A_135, %dma_start3A_136] : memref<10000x64xf32, #tpu.memory_space<hbm>> -> memref<10000x64xf32, #tpu.memory_space<hbm>>
    tpu.enqueue_indirect_dma source(%dma_start3A_137 : memref<10000x64xf32, #tpu.memory_space<hbm>>) target(%arg11 : memref<80x64xf32, #tpu.memory_space<vmem>>) offsets(%dma_start3A_130 : memref<80xi32, #tpu.memory_space<vmem>>) semaphore(%arg17 : memref<!tpu.dma_semaphore, #tpu.memory_space<semaphore_mem>>)
    %dma_start3A_138 = arith.constant 1 : i32
    %dma_start3A_139 = arith.constant 3 : i32
    %dma_start3A_140 = arith.constant 0 : i32
    %dma_start3A_141 = tpu.memref_slice %arg7[%dma_start3A_139, %dma_start3A_140] : memref<125x80xi32, #tpu.memory_space<vmem>> -> memref<1x80xi32, #tpu.memory_space<vmem>>
    %dma_start3A_142 = tpu.memref_squeeze %dma_start3A_141 : memref<1x80xi32, #tpu.memory_space<vmem>> -> memref<80xi32, #tpu.memory_space<vmem>>
    %dma_start3A_143 = arith.constant 0 : i32
    %dma_start3A_144 = arith.constant 0 : i32
    %dma_start3A_145 = tpu.memref_slice %arg2[%dma_start3A_138, %dma_start3A_143, %dma_start3A_144] : memref<2x10000x64xf32, #tpu.memory_space<hbm>> -> memref<1x10000x64xf32, #tpu.memory_space<hbm>>
    %dma_start3A_146 = tpu.memref_squeeze %dma_start3A_145 : memref<1x10000x64xf32, #tpu.memory_space<hbm>> -> memref<10000x64xf32, #tpu.memory_space<hbm>>
    %dma_start3A_147 = arith.constant 0 : i32
    %dma_start3A_148 = arith.constant 0 : i32
    %dma_start3A_149 = tpu.memref_slice %dma_start3A_146[%dma_start3A_147, %dma_start3A_148] : memref<10000x64xf32, #tpu.memory_space<hbm>> -> memref<10000x64xf32, #tpu.memory_space<hbm>>
    tpu.enqueue_indirect_dma source(%dma_start3A_149 : memref<10000x64xf32, #tpu.memory_space<hbm>>) target(%arg12 : memref<80x64xf32, #tpu.memory_space<vmem>>) offsets(%dma_start3A_142 : memref<80xi32, #tpu.memory_space<vmem>>) semaphore(%arg18 : memref<!tpu.dma_semaphore, #tpu.memory_space<semaphore_mem>>)
    %dma_start3A_150 = arith.constant 1 : i32
    %dma_start3A_151 = arith.constant 4 : i32
    %dma_start3A_152 = arith.constant 0 : i32
    %dma_start3A_153 = tpu.memref_slice %arg7[%dma_start3A_151, %dma_start3A_152] : memref<125x80xi32, #tpu.memory_space<vmem>> -> memref<1x80xi32, #tpu.memory_space<vmem>>
    %dma_start3A_154 = tpu.memref_squeeze %dma_start3A_153 : memref<1x80xi32, #tpu.memory_space<vmem>> -> memref<80xi32, #tpu.memory_space<vmem>>
    %dma_start3A_155 = arith.constant 0 : i32
    %dma_start3A_156 = arith.constant 0 : i32
    %dma_start3A_157 = tpu.memref_slice %arg2[%dma_start3A_150, %dma_start3A_155, %dma_start3A_156] : memref<2x10000x64xf32, #tpu.memory_space<hbm>> -> memref<1x10000x64xf32, #tpu.memory_space<hbm>>
    %dma_start3A_158 = tpu.memref_squeeze %dma_start3A_157 : memref<1x10000x64xf32, #tpu.memory_space<hbm>> -> memref<10000x64xf32, #tpu.memory_space<hbm>>
    %dma_start3A_159 = arith.constant 0 : i32
    %dma_start3A_160 = arith.constant 0 : i32
    %dma_start3A_161 = tpu.memref_slice %dma_start3A_158[%dma_start3A_159, %dma_start3A_160] : memref<10000x64xf32, #tpu.memory_space<hbm>> -> memref<10000x64xf32, #tpu.memory_space<hbm>>
    tpu.enqueue_indirect_dma source(%dma_start3A_161 : memref<10000x64xf32, #tpu.memory_space<hbm>>) target(%arg13 : memref<80x64xf32, #tpu.memory_space<vmem>>) offsets(%dma_start3A_154 : memref<80xi32, #tpu.memory_space<vmem>>) semaphore(%arg19 : memref<!tpu.dma_semaphore, #tpu.memory_space<semaphore_mem>>)
    %barrier3A_162 = arith.constant 0 : index
    tpu.barrier barrier_id(%barrier3A_162)
    %scan3A_163 = arith.constant 1 : i32
    %scan3A_164 = arith.constant 0 : i32
    %scan3A_165 = arith.constant 25 : i32
    %scan3A_166 = arith.addi %scan3A_164, %scan3A_165 : i32
    %scan3A_167 = arith.constant 1 : i32
    scf.for %scan3A_206 = %scan3A_164 to %scan3A_166 step %scan3A_167  : i32 {
      %mul3A_207 = arith.constant 5 : i32
      %mul3A_208 = arith.muli %scan3A_206, %mul3A_207 : i32
      %add3A_209 = arith.constant 0 : i32
      %add3A_210 = arith.addi %add3A_209, %mul3A_208 : i32
      %add3A_211 = arith.constant 0 : i32
      %add3A_212 = arith.addi %add3A_210, %add3A_211 : i32
      %dma_wait3A_213 = arith.constant 0 : i32
      %dma_wait3A_214 = tpu.memref_slice %arg7[%add3A_212, %dma_wait3A_213] : memref<125x80xi32, #tpu.memory_space<vmem>> -> memref<1x80xi32, #tpu.memory_space<vmem>>
      %dma_wait3A_215 = tpu.memref_squeeze %dma_wait3A_214 : memref<1x80xi32, #tpu.memory_space<vmem>> -> memref<80xi32, #tpu.memory_space<vmem>>
      %dma_wait3A_216 = arith.constant 0 : i32
      %dma_wait3A_217 = arith.constant 0 : i32
      %dma_wait3A_218 = tpu.memref_slice %arg2[%scan3A_163, %dma_wait3A_216, %dma_wait3A_217] : memref<2x10000x64xf32, #tpu.memory_space<hbm>> -> memref<1x10000x64xf32, #tpu.memory_space<hbm>>
      %dma_wait3A_219 = tpu.memref_squeeze %dma_wait3A_218 : memref<1x10000x64xf32, #tpu.memory_space<hbm>> -> memref<10000x64xf32, #tpu.memory_space<hbm>>
      %dma_wait3A_220 = arith.constant 0 : i32
      %dma_wait3A_221 = arith.constant 0 : i32
      %dma_wait3A_222 = tpu.memref_slice %dma_wait3A_219[%dma_wait3A_220, %dma_wait3A_221] : memref<10000x64xf32, #tpu.memory_space<hbm>> -> memref<10000x64xf32, #tpu.memory_space<hbm>>
      tpu.wait_indirect_dma semaphore(%arg15 : memref<!tpu.dma_semaphore, #tpu.memory_space<semaphore_mem>>) src(%dma_wait3A_222 : memref<10000x64xf32, #tpu.memory_space<hbm>>) dst(%arg9 : memref<80x64xf32, #tpu.memory_space<vmem>>)
      %dma_start3A_223 = arith.constant 0 : i32
      %dma_start3A_224 = tpu.memref_slice %arg8[%add3A_212, %dma_start3A_223] : memref<125x80xi32, #tpu.memory_space<vmem>> -> memref<1x80xi32, #tpu.memory_space<vmem>>
      %dma_start3A_225 = tpu.memref_squeeze %dma_start3A_224 : memref<1x80xi32, #tpu.memory_space<vmem>> -> memref<80xi32, #tpu.memory_space<vmem>>
      %dma_start3A_226 = arith.constant 0 : i32
      %dma_start3A_227 = arith.constant 0 : i32
      %dma_start3A_228 = tpu.memref_slice %arg14[%dma_start3A_226, %dma_start3A_227] : memref<10240x64xf32, #tpu.memory_space<vmem_shared>> -> memref<10240x64xf32, #tpu.memory_space<vmem_shared>>
      tpu.enqueue_indirect_dma source(%arg9 : memref<80x64xf32, #tpu.memory_space<vmem>>) target(%dma_start3A_228 : memref<10240x64xf32, #tpu.memory_space<vmem_shared>>) offsets(%dma_start3A_225 : memref<80xi32, #tpu.memory_space<vmem>>) semaphore(%arg20 : memref<!tpu.dma_semaphore, #tpu.memory_space<semaphore_mem>>) {add = true}
      %add3A_229 = arith.constant 5 : i32
      %add3A_230 = arith.addi %add3A_212, %add3A_229 : i32
      %lt3A = arith.constant 125 : i32
      %lt3A_231 = arith.cmpi slt, %add3A_230, %lt3A : i32
      %convert_element_type3A = arith.extui %lt3A_231 : i1 to i32
      %cond3A = arith.constant 0 : i32
      %cond3A_232 = arith.cmpi ne, %convert_element_type3A, %cond3A : i32
      scf.if %cond3A_232 {
        %dma_wait3A_333 = arith.constant 0 : i32
        %dma_wait3A_334 = tpu.memref_slice %arg8[%add3A_212, %dma_wait3A_333] : memref<125x80xi32, #tpu.memory_space<vmem>> -> memref<1x80xi32, #tpu.memory_space<vmem>>
        %dma_wait3A_335 = tpu.memref_squeeze %dma_wait3A_334 : memref<1x80xi32, #tpu.memory_space<vmem>> -> memref<80xi32, #tpu.memory_space<vmem>>
        %dma_wait3A_336 = arith.constant 0 : i32
        %dma_wait3A_337 = arith.constant 0 : i32
        %dma_wait3A_338 = tpu.memref_slice %arg14[%dma_wait3A_336, %dma_wait3A_337] : memref<10240x64xf32, #tpu.memory_space<vmem_shared>> -> memref<10240x64xf32, #tpu.memory_space<vmem_shared>>
        tpu.wait_indirect_dma semaphore(%arg20 : memref<!tpu.dma_semaphore, #tpu.memory_space<semaphore_mem>>) src(%arg9 : memref<80x64xf32, #tpu.memory_space<vmem>>) dst(%dma_wait3A_338 : memref<10240x64xf32, #tpu.memory_space<vmem_shared>>)
        %add3A_339 = arith.constant 5 : i32
        %add3A_340 = arith.addi %add3A_212, %add3A_339 : i32
        %dma_start3A_341 = arith.constant 0 : i32
        %dma_start3A_342 = tpu.memref_slice %arg7[%add3A_340, %dma_start3A_341] : memref<125x80xi32, #tpu.memory_space<vmem>> -> memref<1x80xi32, #tpu.memory_space<vmem>>
        %dma_start3A_343 = tpu.memref_squeeze %dma_start3A_342 : memref<1x80xi32, #tpu.memory_space<vmem>> -> memref<80xi32, #tpu.memory_space<vmem>>
        %dma_start3A_344 = arith.constant 0 : i32
        %dma_start3A_345 = arith.constant 0 : i32
        %dma_start3A_346 = tpu.memref_slice %arg2[%scan3A_163, %dma_start3A_344, %dma_start3A_345] : memref<2x10000x64xf32, #tpu.memory_space<hbm>> -> memref<1x10000x64xf32, #tpu.memory_space<hbm>>
        %dma_start3A_347 = tpu.memref_squeeze %dma_start3A_346 : memref<1x10000x64xf32, #tpu.memory_space<hbm>> -> memref<10000x64xf32, #tpu.memory_space<hbm>>
        %dma_start3A_348 = arith.constant 0 : i32
        %dma_start3A_349 = arith.constant 0 : i32
        %dma_start3A_350 = tpu.memref_slice %dma_start3A_347[%dma_start3A_348, %dma_start3A_349] : memref<10000x64xf32, #tpu.memory_space<hbm>> -> memref<10000x64xf32, #tpu.memory_space<hbm>>
        tpu.enqueue_indirect_dma source(%dma_start3A_350 : memref<10000x64xf32, #tpu.memory_space<hbm>>) target(%arg9 : memref<80x64xf32, #tpu.memory_space<vmem>>) offsets(%dma_start3A_343 : memref<80xi32, #tpu.memory_space<vmem>>) semaphore(%arg15 : memref<!tpu.dma_semaphore, #tpu.memory_space<semaphore_mem>>)
      } else {
      }
      %add3A_233 = arith.constant 1 : i32
      %add3A_234 = arith.addi %add3A_210, %add3A_233 : i32
      %dma_wait3A_235 = arith.constant 0 : i32
      %dma_wait3A_236 = tpu.memref_slice %arg7[%add3A_234, %dma_wait3A_235] : memref<125x80xi32, #tpu.memory_space<vmem>> -> memref<1x80xi32, #tpu.memory_space<vmem>>
      %dma_wait3A_237 = tpu.memref_squeeze %dma_wait3A_236 : memref<1x80xi32, #tpu.memory_space<vmem>> -> memref<80xi32, #tpu.memory_space<vmem>>
      %dma_wait3A_238 = arith.constant 0 : i32
      %dma_wait3A_239 = arith.constant 0 : i32
      %dma_wait3A_240 = tpu.memref_slice %arg2[%scan3A_163, %dma_wait3A_238, %dma_wait3A_239] : memref<2x10000x64xf32, #tpu.memory_space<hbm>> -> memref<1x10000x64xf32, #tpu.memory_space<hbm>>
      %dma_wait3A_241 = tpu.memref_squeeze %dma_wait3A_240 : memref<1x10000x64xf32, #tpu.memory_space<hbm>> -> memref<10000x64xf32, #tpu.memory_space<hbm>>
      %dma_wait3A_242 = arith.constant 0 : i32
      %dma_wait3A_243 = arith.constant 0 : i32
      %dma_wait3A_244 = tpu.memref_slice %dma_wait3A_241[%dma_wait3A_242, %dma_wait3A_243] : memref<10000x64xf32, #tpu.memory_space<hbm>> -> memref<10000x64xf32, #tpu.memory_space<hbm>>
      tpu.wait_indirect_dma semaphore(%arg16 : memref<!tpu.dma_semaphore, #tpu.memory_space<semaphore_mem>>) src(%dma_wait3A_244 : memref<10000x64xf32, #tpu.memory_space<hbm>>) dst(%arg10 : memref<80x64xf32, #tpu.memory_space<vmem>>)
      %dma_start3A_245 = arith.constant 0 : i32
      %dma_start3A_246 = tpu.memref_slice %arg8[%add3A_234, %dma_start3A_245] : memref<125x80xi32, #tpu.memory_space<vmem>> -> memref<1x80xi32, #tpu.memory_space<vmem>>
      %dma_start3A_247 = tpu.memref_squeeze %dma_start3A_246 : memref<1x80xi32, #tpu.memory_space<vmem>> -> memref<80xi32, #tpu.memory_space<vmem>>
      %dma_start3A_248 = arith.constant 0 : i32
      %dma_start3A_249 = arith.constant 0 : i32
      %dma_start3A_250 = tpu.memref_slice %arg14[%dma_start3A_248, %dma_start3A_249] : memref<10240x64xf32, #tpu.memory_space<vmem_shared>> -> memref<10240x64xf32, #tpu.memory_space<vmem_shared>>
      tpu.enqueue_indirect_dma source(%arg10 : memref<80x64xf32, #tpu.memory_space<vmem>>) target(%dma_start3A_250 : memref<10240x64xf32, #tpu.memory_space<vmem_shared>>) offsets(%dma_start3A_247 : memref<80xi32, #tpu.memory_space<vmem>>) semaphore(%arg21 : memref<!tpu.dma_semaphore, #tpu.memory_space<semaphore_mem>>) {add = true}
      %add3A_251 = arith.constant 5 : i32
      %add3A_252 = arith.addi %add3A_234, %add3A_251 : i32
      %lt3A_253 = arith.constant 125 : i32
      %lt3A_254 = arith.cmpi slt, %add3A_252, %lt3A_253 : i32
      %convert_element_type3A_255 = arith.extui %lt3A_254 : i1 to i32
      %cond3A_256 = arith.constant 0 : i32
      %cond3A_257 = arith.cmpi ne, %convert_element_type3A_255, %cond3A_256 : i32
      scf.if %cond3A_257 {
        %dma_wait3A_333 = arith.constant 0 : i32
        %dma_wait3A_334 = tpu.memref_slice %arg8[%add3A_234, %dma_wait3A_333] : memref<125x80xi32, #tpu.memory_space<vmem>> -> memref<1x80xi32, #tpu.memory_space<vmem>>
        %dma_wait3A_335 = tpu.memref_squeeze %dma_wait3A_334 : memref<1x80xi32, #tpu.memory_space<vmem>> -> memref<80xi32, #tpu.memory_space<vmem>>
        %dma_wait3A_336 = arith.constant 0 : i32
        %dma_wait3A_337 = arith.constant 0 : i32
        %dma_wait3A_338 = tpu.memref_slice %arg14[%dma_wait3A_336, %dma_wait3A_337] : memref<10240x64xf32, #tpu.memory_space<vmem_shared>> -> memref<10240x64xf32, #tpu.memory_space<vmem_shared>>
        tpu.wait_indirect_dma semaphore(%arg21 : memref<!tpu.dma_semaphore, #tpu.memory_space<semaphore_mem>>) src(%arg10 : memref<80x64xf32, #tpu.memory_space<vmem>>) dst(%dma_wait3A_338 : memref<10240x64xf32, #tpu.memory_space<vmem_shared>>)
        %add3A_339 = arith.constant 5 : i32
        %add3A_340 = arith.addi %add3A_234, %add3A_339 : i32
        %dma_start3A_341 = arith.constant 0 : i32
        %dma_start3A_342 = tpu.memref_slice %arg7[%add3A_340, %dma_start3A_341] : memref<125x80xi32, #tpu.memory_space<vmem>> -> memref<1x80xi32, #tpu.memory_space<vmem>>
        %dma_start3A_343 = tpu.memref_squeeze %dma_start3A_342 : memref<1x80xi32, #tpu.memory_space<vmem>> -> memref<80xi32, #tpu.memory_space<vmem>>
        %dma_start3A_344 = arith.constant 0 : i32
        %dma_start3A_345 = arith.constant 0 : i32
        %dma_start3A_346 = tpu.memref_slice %arg2[%scan3A_163, %dma_start3A_344, %dma_start3A_345] : memref<2x10000x64xf32, #tpu.memory_space<hbm>> -> memref<1x10000x64xf32, #tpu.memory_space<hbm>>
        %dma_start3A_347 = tpu.memref_squeeze %dma_start3A_346 : memref<1x10000x64xf32, #tpu.memory_space<hbm>> -> memref<10000x64xf32, #tpu.memory_space<hbm>>
        %dma_start3A_348 = arith.constant 0 : i32
        %dma_start3A_349 = arith.constant 0 : i32
        %dma_start3A_350 = tpu.memref_slice %dma_start3A_347[%dma_start3A_348, %dma_start3A_349] : memref<10000x64xf32, #tpu.memory_space<hbm>> -> memref<10000x64xf32, #tpu.memory_space<hbm>>
        tpu.enqueue_indirect_dma source(%dma_start3A_350 : memref<10000x64xf32, #tpu.memory_space<hbm>>) target(%arg10 : memref<80x64xf32, #tpu.memory_space<vmem>>) offsets(%dma_start3A_343 : memref<80xi32, #tpu.memory_space<vmem>>) semaphore(%arg16 : memref<!tpu.dma_semaphore, #tpu.memory_space<semaphore_mem>>)
      } else {
      }
      %add3A_258 = arith.constant 2 : i32
      %add3A_259 = arith.addi %add3A_210, %add3A_258 : i32
      %dma_wait3A_260 = arith.constant 0 : i32
      %dma_wait3A_261 = tpu.memref_slice %arg7[%add3A_259, %dma_wait3A_260] : memref<125x80xi32, #tpu.memory_space<vmem>> -> memref<1x80xi32, #tpu.memory_space<vmem>>
      %dma_wait3A_262 = tpu.memref_squeeze %dma_wait3A_261 : memref<1x80xi32, #tpu.memory_space<vmem>> -> memref<80xi32, #tpu.memory_space<vmem>>
      %dma_wait3A_263 = arith.constant 0 : i32
      %dma_wait3A_264 = arith.constant 0 : i32
      %dma_wait3A_265 = tpu.memref_slice %arg2[%scan3A_163, %dma_wait3A_263, %dma_wait3A_264] : memref<2x10000x64xf32, #tpu.memory_space<hbm>> -> memref<1x10000x64xf32, #tpu.memory_space<hbm>>
      %dma_wait3A_266 = tpu.memref_squeeze %dma_wait3A_265 : memref<1x10000x64xf32, #tpu.memory_space<hbm>> -> memref<10000x64xf32, #tpu.memory_space<hbm>>
      %dma_wait3A_267 = arith.constant 0 : i32
      %dma_wait3A_268 = arith.constant 0 : i32
      %dma_wait3A_269 = tpu.memref_slice %dma_wait3A_266[%dma_wait3A_267, %dma_wait3A_268] : memref<10000x64xf32, #tpu.memory_space<hbm>> -> memref<10000x64xf32, #tpu.memory_space<hbm>>
      tpu.wait_indirect_dma semaphore(%arg17 : memref<!tpu.dma_semaphore, #tpu.memory_space<semaphore_mem>>) src(%dma_wait3A_269 : memref<10000x64xf32, #tpu.memory_space<hbm>>) dst(%arg11 : memref<80x64xf32, #tpu.memory_space<vmem>>)
      %dma_start3A_270 = arith.constant 0 : i32
      %dma_start3A_271 = tpu.memref_slice %arg8[%add3A_259, %dma_start3A_270] : memref<125x80xi32, #tpu.memory_space<vmem>> -> memref<1x80xi32, #tpu.memory_space<vmem>>
      %dma_start3A_272 = tpu.memref_squeeze %dma_start3A_271 : memref<1x80xi32, #tpu.memory_space<vmem>> -> memref<80xi32, #tpu.memory_space<vmem>>
      %dma_start3A_273 = arith.constant 0 : i32
      %dma_start3A_274 = arith.constant 0 : i32
      %dma_start3A_275 = tpu.memref_slice %arg14[%dma_start3A_273, %dma_start3A_274] : memref<10240x64xf32, #tpu.memory_space<vmem_shared>> -> memref<10240x64xf32, #tpu.memory_space<vmem_shared>>
      tpu.enqueue_indirect_dma source(%arg11 : memref<80x64xf32, #tpu.memory_space<vmem>>) target(%dma_start3A_275 : memref<10240x64xf32, #tpu.memory_space<vmem_shared>>) offsets(%dma_start3A_272 : memref<80xi32, #tpu.memory_space<vmem>>) semaphore(%arg22 : memref<!tpu.dma_semaphore, #tpu.memory_space<semaphore_mem>>) {add = true}
      %add3A_276 = arith.constant 5 : i32
      %add3A_277 = arith.addi %add3A_259, %add3A_276 : i32
      %lt3A_278 = arith.constant 125 : i32
      %lt3A_279 = arith.cmpi slt, %add3A_277, %lt3A_278 : i32
      %convert_element_type3A_280 = arith.extui %lt3A_279 : i1 to i32
      %cond3A_281 = arith.constant 0 : i32
      %cond3A_282 = arith.cmpi ne, %convert_element_type3A_280, %cond3A_281 : i32
      scf.if %cond3A_282 {
        %dma_wait3A_333 = arith.constant 0 : i32
        %dma_wait3A_334 = tpu.memref_slice %arg8[%add3A_259, %dma_wait3A_333] : memref<125x80xi32, #tpu.memory_space<vmem>> -> memref<1x80xi32, #tpu.memory_space<vmem>>
        %dma_wait3A_335 = tpu.memref_squeeze %dma_wait3A_334 : memref<1x80xi32, #tpu.memory_space<vmem>> -> memref<80xi32, #tpu.memory_space<vmem>>
        %dma_wait3A_336 = arith.constant 0 : i32
        %dma_wait3A_337 = arith.constant 0 : i32
        %dma_wait3A_338 = tpu.memref_slice %arg14[%dma_wait3A_336, %dma_wait3A_337] : memref<10240x64xf32, #tpu.memory_space<vmem_shared>> -> memref<10240x64xf32, #tpu.memory_space<vmem_shared>>
        tpu.wait_indirect_dma semaphore(%arg22 : memref<!tpu.dma_semaphore, #tpu.memory_space<semaphore_mem>>) src(%arg11 : memref<80x64xf32, #tpu.memory_space<vmem>>) dst(%dma_wait3A_338 : memref<10240x64xf32, #tpu.memory_space<vmem_shared>>)
        %add3A_339 = arith.constant 5 : i32
        %add3A_340 = arith.addi %add3A_259, %add3A_339 : i32
        %dma_start3A_341 = arith.constant 0 : i32
        %dma_start3A_342 = tpu.memref_slice %arg7[%add3A_340, %dma_start3A_341] : memref<125x80xi32, #tpu.memory_space<vmem>> -> memref<1x80xi32, #tpu.memory_space<vmem>>
        %dma_start3A_343 = tpu.memref_squeeze %dma_start3A_342 : memref<1x80xi32, #tpu.memory_space<vmem>> -> memref<80xi32, #tpu.memory_space<vmem>>
        %dma_start3A_344 = arith.constant 0 : i32
        %dma_start3A_345 = arith.constant 0 : i32
        %dma_start3A_346 = tpu.memref_slice %arg2[%scan3A_163, %dma_start3A_344, %dma_start3A_345] : memref<2x10000x64xf32, #tpu.memory_space<hbm>> -> memref<1x10000x64xf32, #tpu.memory_space<hbm>>
        %dma_start3A_347 = tpu.memref_squeeze %dma_start3A_346 : memref<1x10000x64xf32, #tpu.memory_space<hbm>> -> memref<10000x64xf32, #tpu.memory_space<hbm>>
        %dma_start3A_348 = arith.constant 0 : i32
        %dma_start3A_349 = arith.constant 0 : i32
        %dma_start3A_350 = tpu.memref_slice %dma_start3A_347[%dma_start3A_348, %dma_start3A_349] : memref<10000x64xf32, #tpu.memory_space<hbm>> -> memref<10000x64xf32, #tpu.memory_space<hbm>>
        tpu.enqueue_indirect_dma source(%dma_start3A_350 : memref<10000x64xf32, #tpu.memory_space<hbm>>) target(%arg11 : memref<80x64xf32, #tpu.memory_space<vmem>>) offsets(%dma_start3A_343 : memref<80xi32, #tpu.memory_space<vmem>>) semaphore(%arg17 : memref<!tpu.dma_semaphore, #tpu.memory_space<semaphore_mem>>)
      } else {
      }
      %add3A_283 = arith.constant 3 : i32
      %add3A_284 = arith.addi %add3A_210, %add3A_283 : i32
      %dma_wait3A_285 = arith.constant 0 : i32
      %dma_wait3A_286 = tpu.memref_slice %arg7[%add3A_284, %dma_wait3A_285] : memref<125x80xi32, #tpu.memory_space<vmem>> -> memref<1x80xi32, #tpu.memory_space<vmem>>
      %dma_wait3A_287 = tpu.memref_squeeze %dma_wait3A_286 : memref<1x80xi32, #tpu.memory_space<vmem>> -> memref<80xi32, #tpu.memory_space<vmem>>
      %dma_wait3A_288 = arith.constant 0 : i32
      %dma_wait3A_289 = arith.constant 0 : i32
      %dma_wait3A_290 = tpu.memref_slice %arg2[%scan3A_163, %dma_wait3A_288, %dma_wait3A_289] : memref<2x10000x64xf32, #tpu.memory_space<hbm>> -> memref<1x10000x64xf32, #tpu.memory_space<hbm>>
      %dma_wait3A_291 = tpu.memref_squeeze %dma_wait3A_290 : memref<1x10000x64xf32, #tpu.memory_space<hbm>> -> memref<10000x64xf32, #tpu.memory_space<hbm>>
      %dma_wait3A_292 = arith.constant 0 : i32
      %dma_wait3A_293 = arith.constant 0 : i32
      %dma_wait3A_294 = tpu.memref_slice %dma_wait3A_291[%dma_wait3A_292, %dma_wait3A_293] : memref<10000x64xf32, #tpu.memory_space<hbm>> -> memref<10000x64xf32, #tpu.memory_space<hbm>>
      tpu.wait_indirect_dma semaphore(%arg18 : memref<!tpu.dma_semaphore, #tpu.memory_space<semaphore_mem>>) src(%dma_wait3A_294 : memref<10000x64xf32, #tpu.memory_space<hbm>>) dst(%arg12 : memref<80x64xf32, #tpu.memory_space<vmem>>)
      %dma_start3A_295 = arith.constant 0 : i32
      %dma_start3A_296 = tpu.memref_slice %arg8[%add3A_284, %dma_start3A_295] : memref<125x80xi32, #tpu.memory_space<vmem>> -> memref<1x80xi32, #tpu.memory_space<vmem>>
      %dma_start3A_297 = tpu.memref_squeeze %dma_start3A_296 : memref<1x80xi32, #tpu.memory_space<vmem>> -> memref<80xi32, #tpu.memory_space<vmem>>
      %dma_start3A_298 = arith.constant 0 : i32
      %dma_start3A_299 = arith.constant 0 : i32
      %dma_start3A_300 = tpu.memref_slice %arg14[%dma_start3A_298, %dma_start3A_299] : memref<10240x64xf32, #tpu.memory_space<vmem_shared>> -> memref<10240x64xf32, #tpu.memory_space<vmem_shared>>
      tpu.enqueue_indirect_dma source(%arg12 : memref<80x64xf32, #tpu.memory_space<vmem>>) target(%dma_start3A_300 : memref<10240x64xf32, #tpu.memory_space<vmem_shared>>) offsets(%dma_start3A_297 : memref<80xi32, #tpu.memory_space<vmem>>) semaphore(%arg23 : memref<!tpu.dma_semaphore, #tpu.memory_space<semaphore_mem>>) {add = true}
      %add3A_301 = arith.constant 5 : i32
      %add3A_302 = arith.addi %add3A_284, %add3A_301 : i32
      %lt3A_303 = arith.constant 125 : i32
      %lt3A_304 = arith.cmpi slt, %add3A_302, %lt3A_303 : i32
      %convert_element_type3A_305 = arith.extui %lt3A_304 : i1 to i32
      %cond3A_306 = arith.constant 0 : i32
      %cond3A_307 = arith.cmpi ne, %convert_element_type3A_305, %cond3A_306 : i32
      scf.if %cond3A_307 {
        %dma_wait3A_333 = arith.constant 0 : i32
        %dma_wait3A_334 = tpu.memref_slice %arg8[%add3A_284, %dma_wait3A_333] : memref<125x80xi32, #tpu.memory_space<vmem>> -> memref<1x80xi32, #tpu.memory_space<vmem>>
        %dma_wait3A_335 = tpu.memref_squeeze %dma_wait3A_334 : memref<1x80xi32, #tpu.memory_space<vmem>> -> memref<80xi32, #tpu.memory_space<vmem>>
        %dma_wait3A_336 = arith.constant 0 : i32
        %dma_wait3A_337 = arith.constant 0 : i32
        %dma_wait3A_338 = tpu.memref_slice %arg14[%dma_wait3A_336, %dma_wait3A_337] : memref<10240x64xf32, #tpu.memory_space<vmem_shared>> -> memref<10240x64xf32, #tpu.memory_space<vmem_shared>>
        tpu.wait_indirect_dma semaphore(%arg23 : memref<!tpu.dma_semaphore, #tpu.memory_space<semaphore_mem>>) src(%arg12 : memref<80x64xf32, #tpu.memory_space<vmem>>) dst(%dma_wait3A_338 : memref<10240x64xf32, #tpu.memory_space<vmem_shared>>)
        %add3A_339 = arith.constant 5 : i32
        %add3A_340 = arith.addi %add3A_284, %add3A_339 : i32
        %dma_start3A_341 = arith.constant 0 : i32
        %dma_start3A_342 = tpu.memref_slice %arg7[%add3A_340, %dma_start3A_341] : memref<125x80xi32, #tpu.memory_space<vmem>> -> memref<1x80xi32, #tpu.memory_space<vmem>>
        %dma_start3A_343 = tpu.memref_squeeze %dma_start3A_342 : memref<1x80xi32, #tpu.memory_space<vmem>> -> memref<80xi32, #tpu.memory_space<vmem>>
        %dma_start3A_344 = arith.constant 0 : i32
        %dma_start3A_345 = arith.constant 0 : i32
        %dma_start3A_346 = tpu.memref_slice %arg2[%scan3A_163, %dma_start3A_344, %dma_start3A_345] : memref<2x10000x64xf32, #tpu.memory_space<hbm>> -> memref<1x10000x64xf32, #tpu.memory_space<hbm>>
        %dma_start3A_347 = tpu.memref_squeeze %dma_start3A_346 : memref<1x10000x64xf32, #tpu.memory_space<hbm>> -> memref<10000x64xf32, #tpu.memory_space<hbm>>
        %dma_start3A_348 = arith.constant 0 : i32
        %dma_start3A_349 = arith.constant 0 : i32
        %dma_start3A_350 = tpu.memref_slice %dma_start3A_347[%dma_start3A_348, %dma_start3A_349] : memref<10000x64xf32, #tpu.memory_space<hbm>> -> memref<10000x64xf32, #tpu.memory_space<hbm>>
        tpu.enqueue_indirect_dma source(%dma_start3A_350 : memref<10000x64xf32, #tpu.memory_space<hbm>>) target(%arg12 : memref<80x64xf32, #tpu.memory_space<vmem>>) offsets(%dma_start3A_343 : memref<80xi32, #tpu.memory_space<vmem>>) semaphore(%arg18 : memref<!tpu.dma_semaphore, #tpu.memory_space<semaphore_mem>>)
      } else {
      }
      %add3A_308 = arith.constant 4 : i32
      %add3A_309 = arith.addi %add3A_210, %add3A_308 : i32
      %dma_wait3A_310 = arith.constant 0 : i32
      %dma_wait3A_311 = tpu.memref_slice %arg7[%add3A_309, %dma_wait3A_310] : memref<125x80xi32, #tpu.memory_space<vmem>> -> memref<1x80xi32, #tpu.memory_space<vmem>>
      %dma_wait3A_312 = tpu.memref_squeeze %dma_wait3A_311 : memref<1x80xi32, #tpu.memory_space<vmem>> -> memref<80xi32, #tpu.memory_space<vmem>>
      %dma_wait3A_313 = arith.constant 0 : i32
      %dma_wait3A_314 = arith.constant 0 : i32
      %dma_wait3A_315 = tpu.memref_slice %arg2[%scan3A_163, %dma_wait3A_313, %dma_wait3A_314] : memref<2x10000x64xf32, #tpu.memory_space<hbm>> -> memref<1x10000x64xf32, #tpu.memory_space<hbm>>
      %dma_wait3A_316 = tpu.memref_squeeze %dma_wait3A_315 : memref<1x10000x64xf32, #tpu.memory_space<hbm>> -> memref<10000x64xf32, #tpu.memory_space<hbm>>
      %dma_wait3A_317 = arith.constant 0 : i32
      %dma_wait3A_318 = arith.constant 0 : i32
      %dma_wait3A_319 = tpu.memref_slice %dma_wait3A_316[%dma_wait3A_317, %dma_wait3A_318] : memref<10000x64xf32, #tpu.memory_space<hbm>> -> memref<10000x64xf32, #tpu.memory_space<hbm>>
      tpu.wait_indirect_dma semaphore(%arg19 : memref<!tpu.dma_semaphore, #tpu.memory_space<semaphore_mem>>) src(%dma_wait3A_319 : memref<10000x64xf32, #tpu.memory_space<hbm>>) dst(%arg13 : memref<80x64xf32, #tpu.memory_space<vmem>>)
      %dma_start3A_320 = arith.constant 0 : i32
      %dma_start3A_321 = tpu.memref_slice %arg8[%add3A_309, %dma_start3A_320] : memref<125x80xi32, #tpu.memory_space<vmem>> -> memref<1x80xi32, #tpu.memory_space<vmem>>
      %dma_start3A_322 = tpu.memref_squeeze %dma_start3A_321 : memref<1x80xi32, #tpu.memory_space<vmem>> -> memref<80xi32, #tpu.memory_space<vmem>>
      %dma_start3A_323 = arith.constant 0 : i32
      %dma_start3A_324 = arith.constant 0 : i32
      %dma_start3A_325 = tpu.memref_slice %arg14[%dma_start3A_323, %dma_start3A_324] : memref<10240x64xf32, #tpu.memory_space<vmem_shared>> -> memref<10240x64xf32, #tpu.memory_space<vmem_shared>>
      tpu.enqueue_indirect_dma source(%arg13 : memref<80x64xf32, #tpu.memory_space<vmem>>) target(%dma_start3A_325 : memref<10240x64xf32, #tpu.memory_space<vmem_shared>>) offsets(%dma_start3A_322 : memref<80xi32, #tpu.memory_space<vmem>>) semaphore(%arg24 : memref<!tpu.dma_semaphore, #tpu.memory_space<semaphore_mem>>) {add = true}
      %add3A_326 = arith.constant 5 : i32
      %add3A_327 = arith.addi %add3A_309, %add3A_326 : i32
      %lt3A_328 = arith.constant 125 : i32
      %lt3A_329 = arith.cmpi slt, %add3A_327, %lt3A_328 : i32
      %convert_element_type3A_330 = arith.extui %lt3A_329 : i1 to i32
      %cond3A_331 = arith.constant 0 : i32
      %cond3A_332 = arith.cmpi ne, %convert_element_type3A_330, %cond3A_331 : i32
      scf.if %cond3A_332 {
        %dma_wait3A_333 = arith.constant 0 : i32
        %dma_wait3A_334 = tpu.memref_slice %arg8[%add3A_309, %dma_wait3A_333] : memref<125x80xi32, #tpu.memory_space<vmem>> -> memref<1x80xi32, #tpu.memory_space<vmem>>
        %dma_wait3A_335 = tpu.memref_squeeze %dma_wait3A_334 : memref<1x80xi32, #tpu.memory_space<vmem>> -> memref<80xi32, #tpu.memory_space<vmem>>
        %dma_wait3A_336 = arith.constant 0 : i32
        %dma_wait3A_337 = arith.constant 0 : i32
        %dma_wait3A_338 = tpu.memref_slice %arg14[%dma_wait3A_336, %dma_wait3A_337] : memref<10240x64xf32, #tpu.memory_space<vmem_shared>> -> memref<10240x64xf32, #tpu.memory_space<vmem_shared>>
        tpu.wait_indirect_dma semaphore(%arg24 : memref<!tpu.dma_semaphore, #tpu.memory_space<semaphore_mem>>) src(%arg13 : memref<80x64xf32, #tpu.memory_space<vmem>>) dst(%dma_wait3A_338 : memref<10240x64xf32, #tpu.memory_space<vmem_shared>>)
        %add3A_339 = arith.constant 5 : i32
        %add3A_340 = arith.addi %add3A_309, %add3A_339 : i32
        %dma_start3A_341 = arith.constant 0 : i32
        %dma_start3A_342 = tpu.memref_slice %arg7[%add3A_340, %dma_start3A_341] : memref<125x80xi32, #tpu.memory_space<vmem>> -> memref<1x80xi32, #tpu.memory_space<vmem>>
        %dma_start3A_343 = tpu.memref_squeeze %dma_start3A_342 : memref<1x80xi32, #tpu.memory_space<vmem>> -> memref<80xi32, #tpu.memory_space<vmem>>
        %dma_start3A_344 = arith.constant 0 : i32
        %dma_start3A_345 = arith.constant 0 : i32
        %dma_start3A_346 = tpu.memref_slice %arg2[%scan3A_163, %dma_start3A_344, %dma_start3A_345] : memref<2x10000x64xf32, #tpu.memory_space<hbm>> -> memref<1x10000x64xf32, #tpu.memory_space<hbm>>
        %dma_start3A_347 = tpu.memref_squeeze %dma_start3A_346 : memref<1x10000x64xf32, #tpu.memory_space<hbm>> -> memref<10000x64xf32, #tpu.memory_space<hbm>>
        %dma_start3A_348 = arith.constant 0 : i32
        %dma_start3A_349 = arith.constant 0 : i32
        %dma_start3A_350 = tpu.memref_slice %dma_start3A_347[%dma_start3A_348, %dma_start3A_349] : memref<10000x64xf32, #tpu.memory_space<hbm>> -> memref<10000x64xf32, #tpu.memory_space<hbm>>
        tpu.enqueue_indirect_dma source(%dma_start3A_350 : memref<10000x64xf32, #tpu.memory_space<hbm>>) target(%arg13 : memref<80x64xf32, #tpu.memory_space<vmem>>) offsets(%dma_start3A_343 : memref<80xi32, #tpu.memory_space<vmem>>) semaphore(%arg19 : memref<!tpu.dma_semaphore, #tpu.memory_space<semaphore_mem>>)
      } else {
      }
    }
    %scan3A_168 = arith.constant 25 : i32
    %dma_wait3A_169 = arith.constant 120 : i32
    %dma_wait3A_170 = arith.constant 0 : i32
    %dma_wait3A_171 = tpu.memref_slice %arg8[%dma_wait3A_169, %dma_wait3A_170] : memref<125x80xi32, #tpu.memory_space<vmem>> -> memref<1x80xi32, #tpu.memory_space<vmem>>
    %dma_wait3A_172 = tpu.memref_squeeze %dma_wait3A_171 : memref<1x80xi32, #tpu.memory_space<vmem>> -> memref<80xi32, #tpu.memory_space<vmem>>
    %dma_wait3A_173 = arith.constant 0 : i32
    %dma_wait3A_174 = arith.constant 0 : i32
    %dma_wait3A_175 = tpu.memref_slice %arg14[%dma_wait3A_173, %dma_wait3A_174] : memref<10240x64xf32, #tpu.memory_space<vmem_shared>> -> memref<10240x64xf32, #tpu.memory_space<vmem_shared>>
    tpu.wait_indirect_dma semaphore(%arg20 : memref<!tpu.dma_semaphore, #tpu.memory_space<semaphore_mem>>) src(%arg9 : memref<80x64xf32, #tpu.memory_space<vmem>>) dst(%dma_wait3A_175 : memref<10240x64xf32, #tpu.memory_space<vmem_shared>>)
    %dma_wait3A_176 = arith.constant 121 : i32
    %dma_wait3A_177 = arith.constant 0 : i32
    %dma_wait3A_178 = tpu.memref_slice %arg8[%dma_wait3A_176, %dma_wait3A_177] : memref<125x80xi32, #tpu.memory_space<vmem>> -> memref<1x80xi32, #tpu.memory_space<vmem>>
    %dma_wait3A_179 = tpu.memref_squeeze %dma_wait3A_178 : memref<1x80xi32, #tpu.memory_space<vmem>> -> memref<80xi32, #tpu.memory_space<vmem>>
    %dma_wait3A_180 = arith.constant 0 : i32
    %dma_wait3A_181 = arith.constant 0 : i32
    %dma_wait3A_182 = tpu.memref_slice %arg14[%dma_wait3A_180, %dma_wait3A_181] : memref<10240x64xf32, #tpu.memory_space<vmem_shared>> -> memref<10240x64xf32, #tpu.memory_space<vmem_shared>>
    tpu.wait_indirect_dma semaphore(%arg21 : memref<!tpu.dma_semaphore, #tpu.memory_space<semaphore_mem>>) src(%arg10 : memref<80x64xf32, #tpu.memory_space<vmem>>) dst(%dma_wait3A_182 : memref<10240x64xf32, #tpu.memory_space<vmem_shared>>)
    %dma_wait3A_183 = arith.constant 122 : i32
    %dma_wait3A_184 = arith.constant 0 : i32
    %dma_wait3A_185 = tpu.memref_slice %arg8[%dma_wait3A_183, %dma_wait3A_184] : memref<125x80xi32, #tpu.memory_space<vmem>> -> memref<1x80xi32, #tpu.memory_space<vmem>>
    %dma_wait3A_186 = tpu.memref_squeeze %dma_wait3A_185 : memref<1x80xi32, #tpu.memory_space<vmem>> -> memref<80xi32, #tpu.memory_space<vmem>>
    %dma_wait3A_187 = arith.constant 0 : i32
    %dma_wait3A_188 = arith.constant 0 : i32
    %dma_wait3A_189 = tpu.memref_slice %arg14[%dma_wait3A_187, %dma_wait3A_188] : memref<10240x64xf32, #tpu.memory_space<vmem_shared>> -> memref<10240x64xf32, #tpu.memory_space<vmem_shared>>
    tpu.wait_indirect_dma semaphore(%arg22 : memref<!tpu.dma_semaphore, #tpu.memory_space<semaphore_mem>>) src(%arg11 : memref<80x64xf32, #tpu.memory_space<vmem>>) dst(%dma_wait3A_189 : memref<10240x64xf32, #tpu.memory_space<vmem_shared>>)
    %dma_wait3A_190 = arith.constant 123 : i32
    %dma_wait3A_191 = arith.constant 0 : i32
    %dma_wait3A_192 = tpu.memref_slice %arg8[%dma_wait3A_190, %dma_wait3A_191] : memref<125x80xi32, #tpu.memory_space<vmem>> -> memref<1x80xi32, #tpu.memory_space<vmem>>
    %dma_wait3A_193 = tpu.memref_squeeze %dma_wait3A_192 : memref<1x80xi32, #tpu.memory_space<vmem>> -> memref<80xi32, #tpu.memory_space<vmem>>
    %dma_wait3A_194 = arith.constant 0 : i32
    %dma_wait3A_195 = arith.constant 0 : i32
    %dma_wait3A_196 = tpu.memref_slice %arg14[%dma_wait3A_194, %dma_wait3A_195] : memref<10240x64xf32, #tpu.memory_space<vmem_shared>> -> memref<10240x64xf32, #tpu.memory_space<vmem_shared>>
    tpu.wait_indirect_dma semaphore(%arg23 : memref<!tpu.dma_semaphore, #tpu.memory_space<semaphore_mem>>) src(%arg12 : memref<80x64xf32, #tpu.memory_space<vmem>>) dst(%dma_wait3A_196 : memref<10240x64xf32, #tpu.memory_space<vmem_shared>>)
    %dma_wait3A_197 = arith.constant 124 : i32
    %dma_wait3A_198 = arith.constant 0 : i32
    %dma_wait3A_199 = tpu.memref_slice %arg8[%dma_wait3A_197, %dma_wait3A_198] : memref<125x80xi32, #tpu.memory_space<vmem>> -> memref<1x80xi32, #tpu.memory_space<vmem>>
    %dma_wait3A_200 = tpu.memref_squeeze %dma_wait3A_199 : memref<1x80xi32, #tpu.memory_space<vmem>> -> memref<80xi32, #tpu.memory_space<vmem>>
    %dma_wait3A_201 = arith.constant 0 : i32
    %dma_wait3A_202 = arith.constant 0 : i32
    %dma_wait3A_203 = tpu.memref_slice %arg14[%dma_wait3A_201, %dma_wait3A_202] : memref<10240x64xf32, #tpu.memory_space<vmem_shared>> -> memref<10240x64xf32, #tpu.memory_space<vmem_shared>>
    tpu.wait_indirect_dma semaphore(%arg24 : memref<!tpu.dma_semaphore, #tpu.memory_space<semaphore_mem>>) src(%arg13 : memref<80x64xf32, #tpu.memory_space<vmem>>) dst(%dma_wait3A_203 : memref<10240x64xf32, #tpu.memory_space<vmem_shared>>)
    %barrier3A_204 = arith.constant 0 : index
    tpu.barrier barrier_id(%barrier3A_204)
    %run_scoped3A_205 = arith.constant 1 : i32
    "tpu.region"() ({
      %run_scoped3A_206 = tpu.sem_alloc : memref<!tpu.dma_semaphore, #tpu.memory_space<semaphore_mem>>
      %dma_start3A_207 = arith.constant 0 : i32
      %dma_start3A_208 = tpu.memref_slice %arg6[%run_scoped3A_205, %arg0, %mul3A_2, %dma_start3A_207] : memref<2x2x10240x64xf32, #tpu.memory_space<hbm>> -> memref<1x1x640x64xf32, #tpu.memory_space<hbm>>
      %dma_start3A_209 = tpu.memref_squeeze %dma_start3A_208 : memref<1x1x640x64xf32, #tpu.memory_space<hbm>> -> memref<640x64xf32, #tpu.memory_space<hbm>>
      %dma_start3A_210 = arith.constant 0 : i32
      %dma_start3A_211 = tpu.memref_slice %arg14[%mul3A_2, %dma_start3A_210] : memref<10240x64xf32, #tpu.memory_space<vmem_shared>> -> memref<640x64xf32, #tpu.memory_space<vmem_shared>>
      tpu.enqueue_dma source(%dma_start3A_211 : memref<640x64xf32, #tpu.memory_space<vmem_shared>>) target(%dma_start3A_209 : memref<640x64xf32, #tpu.memory_space<hbm>>) target_semaphore(%run_scoped3A_206 : memref<!tpu.dma_semaphore, #tpu.memory_space<semaphore_mem>>)
      %dma_wait3A_212 = arith.constant 0 : i32
      %dma_wait3A_213 = tpu.memref_slice %arg6[%run_scoped3A_205, %arg0, %mul3A_2, %dma_wait3A_212] : memref<2x2x10240x64xf32, #tpu.memory_space<hbm>> -> memref<1x1x640x64xf32, #tpu.memory_space<hbm>>
      %dma_wait3A_214 = tpu.memref_squeeze %dma_wait3A_213 : memref<1x1x640x64xf32, #tpu.memory_space<hbm>> -> memref<640x64xf32, #tpu.memory_space<hbm>>
      %dma_wait3A_215 = arith.constant 0 : i32
      %dma_wait3A_216 = tpu.memref_slice %arg14[%mul3A_2, %dma_wait3A_215] : memref<10240x64xf32, #tpu.memory_space<vmem_shared>> -> memref<640x64xf32, #tpu.memory_space<vmem_shared>>
      tpu.wait_dma2 semaphore(%run_scoped3A_206 : memref<!tpu.dma_semaphore, #tpu.memory_space<semaphore_mem>>) src(%dma_wait3A_216 : memref<640x64xf32, #tpu.memory_space<vmem_shared>>) dst(%dma_wait3A_214 : memref<640x64xf32, #tpu.memory_space<hbm>>)
      tpu.yield
    }) : () -> ()
    return
  }
}

module attributes {stable_mosaic.version = 14 : i64} {
  func.func @_mlp_body(%arg0: i32, %arg1: memref<2000x128xf32, #tpu.memory_space<vmem>>, %arg2: memref<1x1x2000x64xf32, #tpu.memory_space<vmem>>, %arg3: memref<1x1x2000x64xf32, #tpu.memory_space<vmem>>, %arg4: memref<1x1x2000x64xf32, #tpu.memory_space<vmem>>, %arg5: memref<1x1x2000x64xf32, #tpu.memory_space<vmem>>, %arg6: memref<128x128xf32, #tpu.memory_space<vmem>>, %arg7: memref<8x128xf32, #tpu.memory_space<vmem>>, %arg8: memref<128x128xf32, #tpu.memory_space<vmem>>, %arg9: memref<8x128xf32, #tpu.memory_space<vmem>>, %arg10: memref<2000x128xf32, #tpu.memory_space<vmem>>, %arg11: memref<2x2000x64xf32, #tpu.memory_space<vmem>>) attributes {dimension_semantics = [#tpu.dimension_semantics<arbitrary>], iteration_bounds = array<i64: 5>, scalar_prefetch = 0 : i64, scratch_operands = 0 : i64, tpu.core_type = #tpu.core_type<tc>, window_params = [{transform_indices = @transform_0, window_bounds = array<i64: 2000, 128>}, {transform_indices = @transform_1, window_bounds = array<i64: 1, 1, 2000, 64>}, {transform_indices = @transform_2, window_bounds = array<i64: 1, 1, 2000, 64>}, {transform_indices = @transform_3, window_bounds = array<i64: 1, 1, 2000, 64>}, {transform_indices = @transform_4, window_bounds = array<i64: 1, 1, 2000, 64>}, {pipeline_mode = #tpu.pipeline_mode<synchronous>, transform_indices = @transform_5, window_bounds = array<i64: 128, 128>}, {pipeline_mode = #tpu.pipeline_mode<synchronous>, transform_indices = @transform_6, window_bounds = array<i64: 8, 128>}, {pipeline_mode = #tpu.pipeline_mode<synchronous>, transform_indices = @transform_7, window_bounds = array<i64: 128, 128>}, {pipeline_mode = #tpu.pipeline_mode<synchronous>, transform_indices = @transform_8, window_bounds = array<i64: 8, 128>}, {transform_indices = @transform_9, window_bounds = array<i64: 2000, 128>}, {transform_indices = @transform_10, window_bounds = array<i64: 2, 2000, 64>}]} {
    %get3A = arith.constant 0 : index
    %get3A_0 = arith.constant 0 : index
    %get3A_1 = arith.constant 0 : index
    %get3A_2 = arith.constant 0 : index
    %get3A_3 = vector.load %arg2[%get3A, %get3A_0, %get3A_1, %get3A_2] : memref<1x1x2000x64xf32, #tpu.memory_space<vmem>>, vector<1x1x2000x64xf32>
    %get3A_4 = vector.shape_cast %get3A_3 : vector<1x1x2000x64xf32> to vector<2000x64xf32>
    %get3A_5 = arith.constant 0 : index
    %get3A_6 = arith.constant 0 : index
    %get3A_7 = arith.constant 0 : index
    %get3A_8 = arith.constant 0 : index
    %get3A_9 = vector.load %arg3[%get3A_5, %get3A_6, %get3A_7, %get3A_8] : memref<1x1x2000x64xf32, #tpu.memory_space<vmem>>, vector<1x1x2000x64xf32>
    %get3A_10 = vector.shape_cast %get3A_9 : vector<1x1x2000x64xf32> to vector<2000x64xf32>
    %add3A = arith.addf %get3A_4, %get3A_10 : vector<2000x64xf32>
    %get3A_11 = arith.constant 0 : index
    %get3A_12 = arith.constant 0 : index
    %get3A_13 = arith.constant 0 : index
    %get3A_14 = arith.constant 0 : index
    %get3A_15 = vector.load %arg4[%get3A_11, %get3A_12, %get3A_13, %get3A_14] : memref<1x1x2000x64xf32, #tpu.memory_space<vmem>>, vector<1x1x2000x64xf32>
    %get3A_16 = vector.shape_cast %get3A_15 : vector<1x1x2000x64xf32> to vector<2000x64xf32>
    %get3A_17 = arith.constant 0 : index
    %get3A_18 = arith.constant 0 : index
    %get3A_19 = arith.constant 0 : index
    %get3A_20 = arith.constant 0 : index
    %get3A_21 = vector.load %arg5[%get3A_17, %get3A_18, %get3A_19, %get3A_20] : memref<1x1x2000x64xf32, #tpu.memory_space<vmem>>, vector<1x1x2000x64xf32>
    %get3A_22 = vector.shape_cast %get3A_21 : vector<1x1x2000x64xf32> to vector<2000x64xf32>
    %add3A_23 = arith.addf %get3A_16, %get3A_22 : vector<2000x64xf32>
    %get3A_24 = arith.constant 0 : index
    %get3A_25 = arith.constant 0 : index
    %get3A_26 = vector.load %arg1[%get3A_24, %get3A_25] : memref<2000x128xf32, #tpu.memory_space<vmem>>, vector<2000x128xf32>
    %concatenate3A = tpu.concatenate %add3A, %add3A_23 in 1 : vector<2000x64xf32>, vector<2000x64xf32> -> vector<2000x128xf32>
    %add3A_27 = arith.addf %get3A_26, %concatenate3A : vector<2000x128xf32>
    %get3A_28 = arith.constant 0 : index
    %get3A_29 = arith.constant 0 : index
    %get3A_30 = vector.load %arg6[%get3A_28, %get3A_29] : memref<128x128xf32, #tpu.memory_space<vmem>>, vector<128x128xf32>
    %dot_general3A = arith.constant dense<0.000000e+00> : vector<2000x128xf32>
    %dot_general3A_31 = tpu.matmul %add3A_27, %get3A_30, %dot_general3A {dimension_numbers = #tpu.dot_dimension_numbers<[1], [0], [0], [1], [0, 0, 1, 1], [], []>, transpose_lhs_hint = false} : vector<2000x128xf32>, vector<128x128xf32>, vector<2000x128xf32> -> vector<2000x128xf32>
    %get3A_32 = arith.constant 0 : index
    %get3A_33 = arith.constant 0 : index
    %get3A_34 = vector.load %arg7[%get3A_32, %get3A_33] : memref<8x128xf32, #tpu.memory_space<vmem>>, vector<1x128xf32>
    %add3A_35 = vector.broadcast %get3A_34 : vector<1x128xf32> to vector<2000x128xf32>
    %add3A_36 = arith.addf %dot_general3A_31, %add3A_35 : vector<2000x128xf32>
    %max3A = arith.constant 0.000000e+00 : f32
    %max3A_37 = vector.broadcast %max3A : f32 to vector<2000x128xf32>
    %max3A_38 = arith.maximumf %add3A_36, %max3A_37 : vector<2000x128xf32>
    %get3A_39 = arith.constant 0 : index
    %get3A_40 = arith.constant 0 : index
    %get3A_41 = vector.load %arg8[%get3A_39, %get3A_40] : memref<128x128xf32, #tpu.memory_space<vmem>>, vector<128x128xf32>
    %dot_general3A_42 = arith.constant dense<0.000000e+00> : vector<2000x128xf32>
    %dot_general3A_43 = tpu.matmul %max3A_38, %get3A_41, %dot_general3A_42 {dimension_numbers = #tpu.dot_dimension_numbers<[1], [0], [0], [1], [0, 0, 1, 1], [], []>, transpose_lhs_hint = false} : vector<2000x128xf32>, vector<128x128xf32>, vector<2000x128xf32> -> vector<2000x128xf32>
    %get3A_44 = arith.constant 0 : index
    %get3A_45 = arith.constant 0 : index
    %get3A_46 = vector.load %arg9[%get3A_44, %get3A_45] : memref<8x128xf32, #tpu.memory_space<vmem>>, vector<1x128xf32>
    %add3A_47 = vector.broadcast %get3A_46 : vector<1x128xf32> to vector<2000x128xf32>
    %add3A_48 = arith.addf %dot_general3A_43, %add3A_47 : vector<2000x128xf32>
    %max3A_49 = arith.constant 0.000000e+00 : f32
    %max3A_50 = vector.broadcast %max3A_49 : f32 to vector<2000x128xf32>
    %max3A_51 = arith.maximumf %add3A_48, %max3A_50 : vector<2000x128xf32>
    %swap3A = arith.constant 0 : index
    %swap3A_52 = arith.constant 0 : index
    %swap3A_53 = vector.load %arg10[%swap3A, %swap3A_52] : memref<2000x128xf32, #tpu.memory_space<vmem>>, vector<2000x128xf32>
    tpu.vector_store %arg10[%swap3A, %swap3A_52], %max3A_51 {strides = array<i32>} : memref<2000x128xf32, #tpu.memory_space<vmem>>, vector<2000x128xf32>,
    %slice3A = vector.extract_strided_slice %max3A_51 {offsets = [0, 0], sizes = [2000, 64], strides = [1, 1]} : vector<2000x128xf32> to vector<2000x64xf32>
    %swap3A_54 = arith.constant 0 : index
    %swap3A_55 = arith.constant 0 : index
    %swap3A_56 = arith.constant 0 : index
    %swap3A_57 = vector.load %arg11[%swap3A_54, %swap3A_55, %swap3A_56] : memref<2x2000x64xf32, #tpu.memory_space<vmem>>, vector<1x2000x64xf32>
    %swap3A_58 = vector.shape_cast %swap3A_57 : vector<1x2000x64xf32> to vector<2000x64xf32>
    %swap3A_59 = vector.shape_cast %slice3A : vector<2000x64xf32> to vector<1x2000x64xf32>
    tpu.vector_store %arg11[%swap3A_54, %swap3A_55, %swap3A_56], %swap3A_59 {strides = array<i32>} : memref<2x2000x64xf32, #tpu.memory_space<vmem>>, vector<1x2000x64xf32>,
    %slice3A_60 = vector.extract_strided_slice %max3A_51 {offsets = [0, 64], sizes = [2000, 64], strides = [1, 1]} : vector<2000x128xf32> to vector<2000x64xf32>
    %swap3A_61 = arith.constant 1 : index
    %swap3A_62 = arith.constant 0 : index
    %swap3A_63 = arith.constant 0 : index
    %swap3A_64 = vector.load %arg11[%swap3A_61, %swap3A_62, %swap3A_63] : memref<2x2000x64xf32, #tpu.memory_space<vmem>>, vector<1x2000x64xf32>
    %swap3A_65 = vector.shape_cast %swap3A_64 : vector<1x2000x64xf32> to vector<2000x64xf32>
    %swap3A_66 = vector.shape_cast %slice3A_60 : vector<2000x64xf32> to vector<1x2000x64xf32>
    tpu.vector_store %arg11[%swap3A_61, %swap3A_62, %swap3A_63], %swap3A_66 {strides = array<i32>} : memref<2x2000x64xf32, #tpu.memory_space<vmem>>, vector<1x2000x64xf32>,
    return
  }
  func.func @transform_0(%arg0: i32) -> (i32, i32) {
    %c0_i32 = arith.constant 0 : i32
    %c0_i32_0 = arith.constant 0 : i32
    return %arg0, %c0_i32 : i32, i32
  }
  func.func @transform_1(%arg0: i32) -> (i32, i32, i32, i32) {
    %c0_i32 = arith.constant 0 : i32
    %c0_i32_0 = arith.constant 0 : i32
    %c0_i32_1 = arith.constant 0 : i32
    %c0_i32_2 = arith.constant 0 : i32
    return %c0_i32, %c0_i32_0, %arg0, %c0_i32_1 : i32, i32, i32, i32
  }
  func.func @transform_2(%arg0: i32) -> (i32, i32, i32, i32) {
    %c0_i32 = arith.constant 0 : i32
    %c1_i32 = arith.constant 1 : i32
    %c0_i32_0 = arith.constant 0 : i32
    %c0_i32_1 = arith.constant 0 : i32
    return %c0_i32, %c1_i32, %arg0, %c0_i32_0 : i32, i32, i32, i32
  }
  func.func @transform_3(%arg0: i32) -> (i32, i32, i32, i32) {
    %c1_i32 = arith.constant 1 : i32
    %c0_i32 = arith.constant 0 : i32
    %c0_i32_0 = arith.constant 0 : i32
    %c0_i32_1 = arith.constant 0 : i32
    return %c1_i32, %c0_i32, %arg0, %c0_i32_0 : i32, i32, i32, i32
  }
  func.func @transform_4(%arg0: i32) -> (i32, i32, i32, i32) {
    %c1_i32 = arith.constant 1 : i32
    %c1_i32_0 = arith.constant 1 : i32
    %c0_i32 = arith.constant 0 : i32
    %c0_i32_1 = arith.constant 0 : i32
    return %c1_i32, %c1_i32_0, %arg0, %c0_i32 : i32, i32, i32, i32
  }
  func.func @transform_5(%arg0: i32) -> (i32, i32) {
    %c0_i32 = arith.constant 0 : i32
    %c0_i32_0 = arith.constant 0 : i32
    %c0_i32_1 = arith.constant 0 : i32
    return %c0_i32, %c0_i32_0 : i32, i32
  }
  func.func @transform_6(%arg0: i32) -> (i32, i32) {
    %c0_i32 = arith.constant 0 : i32
    %c0_i32_0 = arith.constant 0 : i32
    %c0_i32_1 = arith.constant 0 : i32
    return %c0_i32, %c0_i32_0 : i32, i32
  }
  func.func @transform_7(%arg0: i32) -> (i32, i32) {
    %c0_i32 = arith.constant 0 : i32
    %c0_i32_0 = arith.constant 0 : i32
    %c0_i32_1 = arith.constant 0 : i32
    return %c0_i32, %c0_i32_0 : i32, i32
  }
  func.func @transform_8(%arg0: i32) -> (i32, i32) {
    %c0_i32 = arith.constant 0 : i32
    %c0_i32_0 = arith.constant 0 : i32
    %c0_i32_1 = arith.constant 0 : i32
    return %c0_i32, %c0_i32_0 : i32, i32
  }
  func.func @transform_9(%arg0: i32) -> (i32, i32) {
    %c0_i32 = arith.constant 0 : i32
    %c0_i32_0 = arith.constant 0 : i32
    return %arg0, %c0_i32 : i32, i32
  }
  func.func @transform_10(%arg0: i32) -> (i32, i32, i32) {
    %c0_i32 = arith.constant 0 : i32
    %c0_i32_0 = arith.constant 0 : i32
    %c0_i32_1 = arith.constant 0 : i32
    return %c0_i32, %arg0, %c0_i32_0 : i32, i32, i32
  }
}

</mosaic_0001>

<sc_bundles>
// kernel: closed_call.16.cloned.1.call-start
scs
__scs_entry_jumppad:
0x0: {  	(pc) =	sbr.rel $0x88, $3  }
0x1: {  	(tag) =	ssettag $0x0;
	lr =	simm.s32 $0x1  }
0x2: {  	[smem:$0x3F93] =	sst lr;
	_ =	strace $0xD0000000  }
0x3: {  	_ = 	snop  }
0x4: {  	_ = 	snop  }
0x5: {  	_ = 	snop  }
0x6: {  	_ = 	snop  }
0x7: {  	_ = 	snop  }
__scs_overlays_trampoline_lowered:
0x8: {  	[smem:$0x3FA2] =	sst s0  }
0x9: {  	[smem:$0x3FA3] =	sst s1  }
0xa: {  	[smem:$0x3FA4] =	sst s2  }
0xb: {  	[smem:$0x3FA5] =	sst s3  }
0xc: {  	[smem:$0x3FA6] =	sst s4  }
0xd: {  	[smem:$0x3FA7] =	sst s5  }
0xe: {  	[smem:$0x3FA8] =	sst s6  }
0xf: {  	[smem:$0x3FA9] =	sst s7  }
0x10: {  	[smem:$0x3FAA] =	sst s8  }
0x11: {  	[smem:$0x3FAB] =	sst s9;
	s0 =	simm.s32 @!p0 $0x0  }
0x12: {  	s1 =	sld [smem:$0x3F91];
	s0 =	simm.s32 @p0 $0x1  }
0x13: {  	[smem:$0x3FAC] =	sst s0;
	s0 =	simm.s32 @!p1 $0x0  }
0x14: {  	s2 =	sld [smem:$0x3F90];
	s0 =	simm.s32 @p1 $0x1  }
0x15: {  	[smem:$0x3FAD] =	sst s0;
	s0 =	simm.s32 @!p2 $0x0  }
0x16: {  	s3 =	sld [smem:$0x3FDB];
	s0 =	simm.s32 @p2 $0x1  }
0x17: {  	s4 =	simm.s32 $0x1BF5;
	[smem:$0x3FAF] =	sst s0  }
0x18: {  	s0 =	sld [smem:$0x3F92];
	_ =	swait.ge [sflag:s4], $0x0  }
0x19: {  	s7 =	sld [smem:$0x3F93]  }
0x1a: {  	s8 =	sadd.s32 $0xFFFFE003, lr  }
0x1b: {  	s9 =	sadd.s32 $0xFFFFFEF7, lr;
	s5 =	simm.s32 $0xFFFFFFFF;
	p2 =	slt.u32 s8, $0xFFFFF086  }
0x1c: {  	p1 =	slt.u32 s9, $0xF7A;
	s5 =	simm.s32 @!p2 $0x0  }
0x1d: {  	s5 =	simm.s32 @p1 $0x1;
	p0 =	seq.s32 s7, s2  }
0x1e: {  	s7 =	smul.u32 @!p0 $0xF7A, s2;
	p2 =	seq.s32 @!p0 s5, $0x0  }
0x1f: {  	s9 =	smul.u32 $0xF7A, s1;
	s8 =	simm.s32 @!p0 $0x1BF5;
	p2 =	por !p2, p0  }
0x20: {  	[sflag:s8] =	ssyncset.s32 @!p0 $0xFFFFF086;
	s6 =	sadd.s32 @!p0 s3, s7;
	s7 =	simm.s32 @!p0 $0x108  }
0x21: {  	s3 =	sadd.s32 s3, s9;
	s6 =	sadd.s32 @!p0 $0x88, s6;
	s7 =	simm.s32 @p2 $0x1082  }
0x22: {  	[simem:s7], [sflag:s8] =	dma.local @!p0 [hbm:s6], $0xF7A  }
0x23: {  	s9 =	sor.u32 $0xD0000000, s2;
	s6 =	simm.s32 $0x108;
	_ =	swait.ge @!p0 [sflag:s8], $0x0  }
0x24: {  	s3 =	sadd.s32 $0x88, s3;
	s6 =	simm.s32 @!p1 $0x1082;
	[sflag:s4] =	ssyncset.s32 $0xFFFFF086  }
0x25: {  	[simem:s6], [sflag:s4] =	dma.local [hbm:s3], $0xF7A  }
0x26: {  	[smem:$0x3F93] =	sst s1;
	(tag) =	ssettag s2;
	_ =	strace s9  }
0x27: {  	s1 =	sld [smem:$0x3FA3]  }
0x28: {  	s2 =	sld [smem:$0x3FA4]  }
0x29: {  	s4 =	sld [smem:$0x3FA6]  }
0x2a: {  	p0 =	seq.s32 s5, $0x0;
	s5 =	sld [smem:$0x3FA7]  }
0x2b: {  	s6 =	sld [smem:$0x3FA8]  }
0x2c: {  	s7 =	sld [smem:$0x3FA9]  }
0x2d: {  	s3 =	simm.s32 $0x108;
	s8 =	sld [smem:$0x3FAA]  }
0x2e: {  	s3 =	simm.s32 @!p0 $0x1082;
	s9 =	sld [smem:$0x3FAB]  }
0x2f: {  	lr =	sadd.s32 s0, s3;
	s0 =	sld [smem:$0x3FA2]  }
0x30: {  	s3 =	sld [smem:$0x3FA5]  }
0x31: {  	[smem:$0x3FAE] =	sst s10  }
0x32: {  	s10 =	sld [smem:$0x3FAC];
	_ =	sdelay $0x3  }
0x33: {  	p0 =	seq.s32 s10, $0x1;
	s10 =	sld [smem:$0x3FAE];
	_ =	sdelay $0x3  }
0x34: {  	[smem:$0x3FAE] =	sst s10  }
0x35: {  	s10 =	sld [smem:$0x3FAD];
	_ =	sdelay $0x3  }
0x36: {  	p1 =	seq.s32 s10, $0x1;
	s10 =	sld [smem:$0x3FAE];
	_ =	sdelay $0x3  }
0x37: {  	[smem:$0x3FAE] =	sst s10  }
0x38: {  	s10 =	sld [smem:$0x3FAF]  }
0x39: {  	_ = 	snop;
	(pc) =	sbr.ind lr, $3  }
0x3a: {  	_ = 	snop  }
0x3b: {  	_ = 	snop  }
0x3c: {  	p2 =	seq.s32 s10, $0x1;
	s10 =	sld [smem:$0x3FAE]  }
0x3d: {  	_ =	shalt  }
0x3e: {  	_ =	shalt  }
0x3f: {  	_ =	shalt  }
0x40: {  	_ =	shalt  }
0x41: {  	_ =	shalt  }
0x42: {  	_ =	shalt  }
0x43: {  	_ =	shalt  }
0x44: {  	_ =	shalt  }
0x45: {  	_ =	shalt  }
0x46: {  	_ =	shalt  }
0x47: {  	_ =	shalt  }
0x48: {  	_ =	shalt  }
0x49: {  	_ =	shalt  }
0x4a: {  	_ =	shalt  }
0x4b: {  	_ =	shalt  }
0x4c: {  	_ =	shalt  }
0x4d: {  	_ =	shalt  }
0x4e: {  	_ =	shalt  }
0x4f: {  	_ =	shalt  }
0x50: {  	_ =	shalt  }
0x51: {  	_ =	shalt  }
0x52: {  	_ =	shalt  }
0x53: {  	_ =	shalt  }
0x54: {  	_ =	shalt  }
0x55: {  	_ =	shalt  }
0x56: {  	_ =	shalt  }
0x57: {  	_ =	shalt  }
0x58: {  	_ =	shalt  }
0x59: {  	_ =	shalt  }
0x5a: {  	_ =	shalt  }
0x5b: {  	_ =	shalt  }
0x5c: {  	_ =	shalt  }
0x5d: {  	_ =	shalt  }
0x5e: {  	_ =	shalt  }
0x5f: {  	_ =	shalt  }
0x60: {  	_ =	shalt  }
0x61: {  	_ =	shalt  }
0x62: {  	_ =	shalt  }
0x63: {  	_ =	shalt  }
0x64: {  	_ =	shalt  }
0x65: {  	_ =	shalt  }
0x66: {  	_ =	shalt  }
0x67: {  	_ =	shalt  }
0x68: {  	_ =	shalt  }
0x69: {  	_ =	shalt  }
0x6a: {  	_ =	shalt  }
0x6b: {  	_ =	shalt  }
0x6c: {  	_ =	shalt  }
0x6d: {  	_ =	shalt  }
0x6e: {  	_ =	shalt  }
0x6f: {  	_ =	shalt  }
0x70: {  	_ =	shalt  }
0x71: {  	_ =	shalt  }
0x72: {  	_ =	shalt  }
0x73: {  	_ =	shalt  }
0x74: {  	_ =	shalt  }
0x75: {  	_ =	shalt  }
0x76: {  	_ =	shalt  }
0x77: {  	_ =	shalt  }
0x78: {  	_ =	shalt  }
0x79: {  	_ =	shalt  }
0x7a: {  	_ =	shalt  }
0x7b: {  	_ =	shalt  }
0x7c: {  	_ =	shalt  }
0x7d: {  	_ =	shalt  }
0x7e: {  	_ =	shalt  }
0x7f: {  	_ =	shalt  }
0x80: {  	_ =	shalt  }
0x81: {  	_ =	shalt  }
0x82: {  	_ =	shalt  }
0x83: {  	_ =	shalt  }
0x84: {  	_ =	shalt  }
0x85: {  	_ =	shalt  }
0x86: {  	_ =	shalt  }
0x87: {  	_ =	shalt  }
.Lfunc_end0:
.L_simem_size_0:
called_computation_lowered:
.L_overlay_start_0:
0x88: {  	s2 =	sld [smem:$0x3FD9]  }
0x89: {  	s3 =	sld [smem:$0x3FFE];
	_ =	sdelay $0x1  }
0x8a: {  	s1 =	srdreg.scid  }
0x8b: {  	s0 =	sand.u32 $0x1, s1  }
0x8c: {  	s16 =	sshll.u32 s0, $0xA;
	s2 =	sadd.s32 s3, s2  }
0x8d: {  	s2 =	sadd.s32 s2, s16  }
0x8e: {  	[smem:$0x3FBA] =	sst s2  }
0x8f: {  	_ = 	snop  }
0x90: {  	(tm) =	ssettm $0x1  }
0x91: {  	s17 =	sld [smem:$0x3FFB];
	_ =	sdelay $0x3  }
0x92: {  	_ =	strace s17  }
0x93: {  	s2 =	sld [smem:$0x3FFC];
	_ =	sdelay $0x3  }
0x94: {  	_ =	strace s2  }
0x95: {  	s2 =	sld [smem:$0x3FFD];
	_ =	sdelay $0x3  }
0x96: {  	_ =	strace s2  }
0x97: {  	_ =	strace $0x8FFFFFFF  }
0x98: {  	s18 =	sld [smem:$0x3FDB];
	_ =	sdelay $0x1  }
0x99: {  	s19 =	simm.s32 $_scs_section_size  }
0x9a: {  	s4 =	simm.s32 $_size__tile_overlayer_lowered;
	s5 =	simm.s32 $_tile_overlayer_lowered  }
0x9b: {  	s22 =	simm.s32 $0x1BFF;
	s21 =	sshll.u32 s5, $0x1;
	s2 =	sadd.s32 s19, s18  }
0x9c: {  	s6 =	simm.s32 $0x0;
	s20 =	sshll.u32 s4, $0x1;
	s4 =	sadd.s32 s21, s2  }
0x9d: {  	[timem:s6], [sflag:s22] =	dma.local [hbm:s4], s20  }
0x9e: {  	_ =	swait.ge [sflag:s22], s20  }
0x9f: {  	s3 =	ssub.s32 $0x0, s20;
	[sflag:s22] =	ssyncset.done $0x0  }
0xa0: {  	[sflag:s22] =	ssyncadd.s32 s3;
	_ =	sdelay $0x1  }
0xa1: {  	s23 =	simm.s32 $0x1B8B  }
0xa2: {  	_ =	swait.ge [sflag:s23], $0x1  }
0xa3: {  	[sflag:s23] =	ssyncset.done $0x0  }
0xa4: {  	s25 =	simm.s32 $0x1B8E;
	s24 =	sld [smem:$0x3FFE];
	[sflag:s23] =	ssyncadd.s32 $0xFFFFFFFF  }
0xa5: {  	s26 =	simm.s32 $execute0_lowered;
	[smem:$0x3FD2] =	sst s25  }
0xa6: {  	s4 =	sshll.u32 s26, $0x1;
	_ =	strace $0x80000046;
	[dreg:$0x1] =	wrdreg $0xFFFFFFFF  }
0xa7: {  	s28 =	simm.s32 $_size_execute0_lowered;
	s2 =	sadd.s32 s2, s4;
	[dreg:$0x0] =	wrdreg $0x0  }
0xa8: {  	s4 =	sshll.u32 s28, $0x1;
	[dreg:$0x2] =	wrdreg s2  }
0xa9: {  	[dreg:$0x3] =	wrdreg s4  }
0xaa: {  	[dreg:$0x4] =	wrdreg $0xC0  }
0xab: {  	_ =	task [dreg:s6], $0x5FFFF  }
0xac: {  	[dreg:$0x1] =	wrdreg $0xFFFFFFFF  }
0xad: {  	[dreg:$0x0] =	wrdreg $0x60  }
0xae: {  	[dreg:$0x2] =	wrdreg s24  }
0xaf: {  	[dreg:$0x3] =	wrdreg $0xB2200  }
0xb0: {  	[dreg:$0x4] =	wrdreg $0x9  }
0xb1: {  	_ =	task.clear_ibuf [dreg:s6], $0x5FFFF;
	_ =	strace $0x90000046  }
0xb2: {  	s29 =	simm.s32 $0x9;
	_ =	strace $0x80000048  }
0xb3: {  	_ =	swait.ge [sflag:s29], $0x1  }
0xb4: {  	[sflag:s29] =	ssyncadd.s32 $0xFFFFFFFF  }
0xb5: {  	_ =	strace $0x90000048  }
0xb6: {  	_ =	sfence  }
0xb7: {  	s30 =	sld [smem:$0x0];
	_ =	sdelay $0x2  }
0xb8: {  	s31 =	sshll.u32 s1, $0xD;
	s1 =	sshrl.u32 s1, $0x2  }
0xb9: {  	s3 =	sand.u32 $0x4000, s31;
	s1 =	sadd.s32 s1, s30  }
0xba: {  	s0 =	sor.u32 s3, s0;
	s1 =	sshll.u32 s1, $0x11  }
0xbb: {  	s0 =	sor.u32 s1, s0  }
0xbc: {  	s0 =	sadd.s32 $0x8F2B, s0  }
0xbd: {  	[sflag:s0] =	ssyncadd.remote.s32 $0x1  }
0xbe: {  	_ =	sfence.sel $0xFFFF  }
0xbf: {  	[dreg:$0x0] =	wrdreg $0xFFFFFFFF;
	(pc) =	sbr.abs _section_cstart, $3  }
0xc0: {  	[dreg:$0x1] =	wrdreg $0xFFFFFFFF  }
0xc1: {  	_ =	task.clear_ibuf [dreg:s6], $0x2FFFF;
	_ =	strace $0x9FFFFFFF  }
0xc2: {  	(tm) =	ssettm $0x7FFFFFFF  }
0xc3: {  	_ =	shalt  }
tec
execute0_lowered:
.L_overlay_start_1:
0x0: {  	(tag) =	ssettag $0x1  }
0x1: {  	s0 =	srdreg.scid;
	s6 =	rddreg [dreg:$0x0]  }
0x2: {  	s10 =	stileid.u32;
	s2 =	rddreg [dreg:$0x1]  }
0x3: {  	s3 =	simm.s32 $0x0;
	s12 =	simm.s32 $0xB;
	s16 =	simm.s32 $0x50  }
0x4: {  	s17 =	simm.s32 $0x4E20;
	s18 =	simm.s32 $0x6220;
	s20 =	simm.s32 $0x7620  }
0x5: {  	s28 =	simm.s32 $0x2;
	s29 =	simm.s32 $0x7;
	s30 =	simm.s32 $0x3  }
0x6: {  	s31 =	simm.s32 $0x8;
	s13 =	simm.s32 $0x5;
	s11 =	simm.s32 $0x4D80  }
0x7: {  	s19 =	simm.s32 $0x4DD0;
	s21 =	simm.s32 $0x0;
	s0 =	sand.u32 $0x1, s0  }
0x8: {  	s1 =	sshll.u32 s10, $0x1;
	s7 =	smul.u32 $0xA000, s10;
	[smem:$0x7FF] =	sst s3  }
0x9: {  	s4 =	sadd.s32 $0x36800, s6;
	s26 =	sshll.u32 s10, $0x6;
	s10 =	simm.s32 $0x4D30  }
0xa: {  	s1 =	sor.u32 s0, s1;
	s5 =	smul.u32 $0xA0000, s0;
	_ =	strace $0x80000047  }
0xb: {  	s0 =	ssub.s32 $0x2, s0;
	s14 =	sor.u32 $0x1C0B, s26;
	s26 =	simm.s32 $0x6  }
0xc: {  	s1 =	smul.u32 $0x4E2, s1;
	s9 =	sshrl.u32 s0, $0x1;
	s23 =	sadd.s32 s7, s2  }
0xd: {  	s8 =	sadd.s32 s7, s5;
	s5 =	sadd.s32 $0x5DA00, s6;
	s0 =	ssub.s32 s0, s9  }
0xe: {  	s9 =	sadd.s32 $0x4A080, s6;
	s15 =	sshrl.u32 s23, $0x3;
	s8 =	sshrl.u32 s8, $0x3  }
0xf: {  	s1 =	sadd.s32 s1, s6;
	s0 =	smax.u32 s0, $0x1;
	s8 =	sadd.s32 s8, s6  }
0x10: {  	s22 =	sadd.s32 $0x2CA00, s1;
	s1 =	sadd.s32 $0x22C00, s1;
	[dreg:$0x7] =	wrdreg s0  }
0x11: {  	s0 =	simm.s32 $0x9;
	s6 =	simm.s32 $0xA;
	[dreg:$0x3] =	wrdreg s22  }
0x12: {  	[dreg:$0x4] =	wrdreg s1;
	s24 =	sadd.s32 $0x5EE00, s8;
	s25 =	sadd.s32 $0x86E00, s8  }
0x13: {  	s22 =	simm.s32 $0x8A20;
	s1 =	simm.s32 $0x4;
	[dreg:$0x5] =	wrdreg s24  }
0x14: {  	[dreg:$0x6] =	wrdreg s25;
	s24 =	simm.s32 $0x9E20;
	s25 =	simm.s32 $0x1  }
.LBB2_1:
0x15: {  	s7 =	rddreg [dreg:$0x3]  }
0x16: {  	[tilespmem:s3], [sflag:$0xB] =	stream.linear.gather [hbm4b:s7+s3], $0x2710, $0x38;
	[tilespmem:$0x15220] =	vst v63  }
0x17: {  	_ =	swait.ge [sflag:s12], $0x2710  }
0x18: {  	[sflag:s12] =	ssyncset.done $0x0  }
0x19: {  	s8 =	simm.s32 $0x2710;
	s23 =	rddreg [dreg:$0x4];
	[sflag:s12] =	ssyncadd.s32 $0xFFFFD8F0  }
0x1a: {  	[tilespmem:s8], [sflag:$0xB] =	stream.linear.gather [hbm4b:s23+s3], $0x2710, $0x38;
	[tilespmem:$0x15220] =	vst v63  }
0x1b: {  	_ =	swait.ge [sflag:s12], $0x2710  }
0x1c: {  	[sflag:s12] =	ssyncset.done $0x0  }
0x1d: {  	[sflag:s12] =	ssyncadd.s32 $0xFFFFD8F0  }
0x1e: {  	[spmem:s15], [sflag:s14] =	dma.local [hbm:s5], $0x1400  }
0x1f: {  	_ =	swait.ge [sflag:s12], $0x1400  }
0x20: {  	[sflag:s12] =	ssyncset.done $0x0  }
0x21: {  	[sflag:s12] =	ssyncadd.s32 $0xFFFFEC00  }
0x22: {  	[tilespmem:s17], [sflag:$0x1] =	stream.indirect.gather [hbm4b:s4+s16], $0x40, s3, s16, $0xb8;
	[tilespmem:$0x15220] =	vst v63  }
0x23: {  	_ = 	snop  }
0x24: {  	[tilespmem:s18], [sflag:$0x2] =	stream.indirect.gather [hbm4b:s4+s16], $0x40, s16, s16, $0xb8;
	[tilespmem:$0x15220] =	vst v63  }
0x25: {  	s8 =	simm.s32 $0xA0  }
0x26: {  	[tilespmem:s20], [sflag:$0x3] =	stream.indirect.gather [hbm4b:s4+s16], $0x40, s8, s16, $0xb8;
	[tilespmem:$0x15220] =	vst v63  }
0x27: {  	s23 =	simm.s32 $0xF0  }
0x28: {  	[tilespmem:s22], [sflag:$0x4] =	stream.indirect.gather [hbm4b:s4+s16], $0x40, s23, s16, $0xb8;
	[tilespmem:$0x15220] =	vst v63  }
0x29: {  	s8 =	simm.s32 $0x140  }
0x2a: {  	[tilespmem:s24], [sflag:$0x5] =	stream.indirect.gather [hbm4b:s4+s16], $0x40, s8, s16, $0xb8;
	[tilespmem:$0x15220] =	vst v63  }
0x2b: {  	[bflag:$0x0] =	sbarrier.arrive $0xFFFF  }
0x2c: {  	_ =	swait.ge [sflag:s25], $0x1400  }
0x2d: {  	[sflag:s25] =	ssyncset.done $0x0  }
0x2e: {  	s23 =	simm.s32 $0x2710;
	[sflag:s25] =	ssyncadd.s32 $0xFFFFEC00  }
0x2f: {  	[spmem:s2] =	stream.indirect.scatter.add.f32 [tilespmem:s17], [sflag:$0x6], $0x40, s23, s16, $0xb8;
	[tilespmem:$0x15220] =	vst v63  }
0x30: {  	_ =	swait.ge [sflag:s26], $0x1400  }
0x31: {  	[sflag:s26] =	ssyncset.done $0x0  }
0x32: {  	s8 =	simm.s32 $0x190;
	[sflag:s26] =	ssyncadd.s32 $0xFFFFEC00  }
0x33: {  	[tilespmem:s17], [sflag:$0x1] =	stream.indirect.gather [hbm4b:s4+s16], $0x40, s8, s16, $0xb8;
	[tilespmem:$0x15220] =	vst v63  }
0x34: {  	_ =	swait.ge [sflag:s28], $0x1400  }
0x35: {  	[sflag:s28] =	ssyncset.done $0x0  }
0x36: {  	s23 =	simm.s32 $0x2760;
	[sflag:s28] =	ssyncadd.s32 $0xFFFFEC00  }
0x37: {  	[spmem:s2] =	stream.indirect.scatter.add.f32 [tilespmem:s18], [sflag:$0x7], $0x40, s23, s16, $0xb8;
	[tilespmem:$0x15220] =	vst v63  }
0x38: {  	_ =	swait.ge [sflag:s29], $0x1400  }
0x39: {  	[sflag:s29] =	ssyncset.done $0x0  }
0x3a: {  	s8 =	simm.s32 $0x1E0;
	[sflag:s29] =	ssyncadd.s32 $0xFFFFEC00  }
0x3b: {  	[tilespmem:s18], [sflag:$0x2] =	stream.indirect.gather [hbm4b:s4+s16], $0x40, s8, s16, $0xb8;
	[tilespmem:$0x15220] =	vst v63  }
0x3c: {  	_ =	swait.ge [sflag:s30], $0x1400  }
0x3d: {  	[sflag:s30] =	ssyncset.done $0x0  }
0x3e: {  	s23 =	simm.s32 $0x27B0;
	[sflag:s30] =	ssyncadd.s32 $0xFFFFEC00  }
0x3f: {  	[spmem:s2] =	stream.indirect.scatter.add.f32 [tilespmem:s20], [sflag:$0x8], $0x40, s23, s16, $0xb8;
	[tilespmem:$0x15220] =	vst v63  }
0x40: {  	_ =	swait.ge [sflag:s31], $0x1400  }
0x41: {  	[sflag:s31] =	ssyncset.done $0x0  }
0x42: {  	s8 =	simm.s32 $0x230;
	[sflag:s31] =	ssyncadd.s32 $0xFFFFEC00  }
0x43: {  	[tilespmem:s20], [sflag:$0x3] =	stream.indirect.gather [hbm4b:s4+s16], $0x40, s8, s16, $0xb8;
	[tilespmem:$0x15220] =	vst v63  }
0x44: {  	_ =	swait.ge [sflag:s1], $0x1400  }
0x45: {  	[sflag:s1] =	ssyncset.done $0x0  }
0x46: {  	s23 =	simm.s32 $0x2800;
	[sflag:s1] =	ssyncadd.s32 $0xFFFFEC00  }
0x47: {  	[spmem:s2] =	stream.indirect.scatter.add.f32 [tilespmem:s22], [sflag:$0x9], $0x40, s23, s16, $0xb8;
	[tilespmem:$0x15220] =	vst v63  }
0x48: {  	_ =	swait.ge [sflag:s0], $0x1400  }
0x49: {  	[sflag:s0] =	ssyncset.done $0x0  }
0x4a: {  	s8 =	simm.s32 $0x280;
	[sflag:s0] =	ssyncadd.s32 $0xFFFFEC00  }
0x4b: {  	[tilespmem:s22], [sflag:$0x4] =	stream.indirect.gather [hbm4b:s4+s16], $0x40, s8, s16, $0xb8;
	[tilespmem:$0x15220] =	vst v63  }
0x4c: {  	_ =	swait.ge [sflag:s13], $0x1400  }
0x4d: {  	[sflag:s13] =	ssyncset.done $0x0  }
0x4e: {  	s23 =	simm.s32 $0x2850;
	[sflag:s13] =	ssyncadd.s32 $0xFFFFEC00  }
0x4f: {  	[spmem:s2] =	stream.indirect.scatter.add.f32 [tilespmem:s24], [sflag:$0xA], $0x40, s23, s16, $0xb8;
	[tilespmem:$0x15220] =	vst v63  }
0x50: {  	_ =	swait.ge [sflag:s6], $0x1400  }
0x51: {  	[sflag:s6] =	ssyncset.done $0x0  }
0x52: {  	s7 =	simm.s32 $0x2D0;
	s23 =	simm.s32 $0x640;
	[sflag:s6] =	ssyncadd.s32 $0xFFFFEC00  }
.LBB2_2:
0x53: {  	[tilespmem:s24], [sflag:$0x5] =	stream.indirect.gather [hbm4b:s4+s16], $0x40, s7, s16, $0xb8;
	[tilespmem:$0x15220] =	vst v63  }
0x54: {  	s7 =	smov.u32 s23  }
0x55: {  	p0 =	sne.s32 s23, $0x8FC0;
	s23 =	sadd.s32 $0x640, s23;
	_ =	swait.ge [sflag:s25], $0x1400  }
0x56: {  	s7 =	sshra.s32 s7, $0x2;
	[sflag:s25] =	ssyncset.done $0x0  }
0x57: {  	s8 =	sadd.s32 $0x2710, s7;
	[sflag:s25] =	ssyncadd.s32 $0xFFFFEC00  }
0x58: {  	[spmem:s2] =	stream.indirect.scatter.add.f32 [tilespmem:s17], [sflag:$0x6], $0x40, s8, s16, $0xb8;
	[tilespmem:$0x15220] =	vst v63  }
0x59: {  	_ =	swait.ge [sflag:s26], $0x1400  }
0x5a: {  	[sflag:s26] =	ssyncset.done $0x0  }
0x5b: {  	s8 =	sadd.s32 $0x190, s7;
	[sflag:s26] =	ssyncadd.s32 $0xFFFFEC00  }
0x5c: {  	[tilespmem:s17], [sflag:$0x1] =	stream.indirect.gather [hbm4b:s4+s16], $0x40, s8, s16, $0xb8;
	[tilespmem:$0x15220] =	vst v63  }
0x5d: {  	_ =	swait.ge [sflag:s28], $0x1400  }
0x5e: {  	[sflag:s28] =	ssyncset.done $0x0  }
0x5f: {  	s8 =	sadd.s32 $0x2760, s7;
	[sflag:s28] =	ssyncadd.s32 $0xFFFFEC00  }
0x60: {  	[spmem:s2] =	stream.indirect.scatter.add.f32 [tilespmem:s18], [sflag:$0x7], $0x40, s8, s16, $0xb8;
	[tilespmem:$0x15220] =	vst v63  }
0x61: {  	_ =	swait.ge [sflag:s29], $0x1400  }
0x62: {  	[sflag:s29] =	ssyncset.done $0x0  }
0x63: {  	s8 =	sadd.s32 $0x1E0, s7;
	[sflag:s29] =	ssyncadd.s32 $0xFFFFEC00  }
0x64: {  	[tilespmem:s18], [sflag:$0x2] =	stream.indirect.gather [hbm4b:s4+s16], $0x40, s8, s16, $0xb8;
	[tilespmem:$0x15220] =	vst v63  }
0x65: {  	_ =	swait.ge [sflag:s30], $0x1400  }
0x66: {  	[sflag:s30] =	ssyncset.done $0x0  }
0x67: {  	s8 =	sadd.s32 $0x27B0, s7;
	[sflag:s30] =	ssyncadd.s32 $0xFFFFEC00  }
0x68: {  	[spmem:s2] =	stream.indirect.scatter.add.f32 [tilespmem:s20], [sflag:$0x8], $0x40, s8, s16, $0xb8;
	[tilespmem:$0x15220] =	vst v63  }
0x69: {  	_ =	swait.ge [sflag:s31], $0x1400  }
0x6a: {  	[sflag:s31] =	ssyncset.done $0x0  }
0x6b: {  	s8 =	sadd.s32 $0x230, s7;
	[sflag:s31] =	ssyncadd.s32 $0xFFFFEC00  }
0x6c: {  	[tilespmem:s20], [sflag:$0x3] =	stream.indirect.gather [hbm4b:s4+s16], $0x40, s8, s16, $0xb8;
	[tilespmem:$0x15220] =	vst v63  }
0x6d: {  	_ =	swait.ge [sflag:s1], $0x1400  }
0x6e: {  	[sflag:s1] =	ssyncset.done $0x0  }
0x6f: {  	s8 =	sadd.s32 $0x2800, s7;
	[sflag:s1] =	ssyncadd.s32 $0xFFFFEC00  }
0x70: {  	[spmem:s2] =	stream.indirect.scatter.add.f32 [tilespmem:s22], [sflag:$0x9], $0x40, s8, s16, $0xb8;
	[tilespmem:$0x15220] =	vst v63  }
0x71: {  	_ =	swait.ge [sflag:s0], $0x1400  }
0x72: {  	[sflag:s0] =	ssyncset.done $0x0  }
0x73: {  	s8 =	sadd.s32 $0x280, s7;
	[sflag:s0] =	ssyncadd.s32 $0xFFFFEC00  }
0x74: {  	[tilespmem:s22], [sflag:$0x4] =	stream.indirect.gather [hbm4b:s4+s16], $0x40, s8, s16, $0xb8;
	[tilespmem:$0x15220] =	vst v63  }
0x75: {  	_ =	swait.ge [sflag:s13], $0x1400  }
0x76: {  	[sflag:s13] =	ssyncset.done $0x0  }
.Ltmp0:
0x77: {  	s8 =	sadd.s32 $0x2850, s7;
	[sflag:s13] =	ssyncadd.s32 $0xFFFFEC00;
	(pc) =	sbr.rel @p0 .LBB2_2-.Ltmp0, $4  }
0x78: {  	[spmem:s2] =	stream.indirect.scatter.add.f32 [tilespmem:s24], [sflag:$0xA], $0x40, s8, s16, $0xb8;
	[tilespmem:$0x15220] =	vst v63  }
0x79: {  	_ =	swait.ge [sflag:s6], $0x1400  }
0x7a: {  	[sflag:s6] =	ssyncset.done $0x0  }
0x7b: {  	s7 =	sadd.s32 $0x2D0, s7;
	[sflag:s6] =	ssyncadd.s32 $0xFFFFEC00  }
0x7c: {  	[tilespmem:s24], [sflag:$0x5] =	stream.indirect.gather [hbm4b:s4+s16], $0x40, s7, s16, $0xb8;
	[tilespmem:$0x15220] =	vst v63  }
0x7d: {  	_ =	swait.ge [sflag:s25], $0x1400  }
0x7e: {  	[sflag:s25] =	ssyncset.done $0x0  }
0x7f: {  	s8 =	simm.s32 $0x4C90;
	[sflag:s25] =	ssyncadd.s32 $0xFFFFEC00  }
0x80: {  	[spmem:s2] =	stream.indirect.scatter.add.f32 [tilespmem:s17], [sflag:$0x6], $0x40, s8, s16, $0xb8;
	[tilespmem:$0x15220] =	vst v63  }
0x81: {  	_ =	swait.ge [sflag:s28], $0x1400  }
0x82: {  	[sflag:s28] =	ssyncset.done $0x0  }
0x83: {  	s23 =	simm.s32 $0x4CE0;
	[sflag:s28] =	ssyncadd.s32 $0xFFFFEC00  }
0x84: {  	[spmem:s2] =	stream.indirect.scatter.add.f32 [tilespmem:s18], [sflag:$0x7], $0x40, s23, s16, $0xb8;
	[tilespmem:$0x15220] =	vst v63  }
0x85: {  	_ =	swait.ge [sflag:s30], $0x1400  }
0x86: {  	[sflag:s30] =	ssyncset.done $0x0  }
0x87: {  	[sflag:s30] =	ssyncadd.s32 $0xFFFFEC00  }
0x88: {  	[spmem:s2] =	stream.indirect.scatter.add.f32 [tilespmem:s20], [sflag:$0x8], $0x40, s10, s16, $0xb8;
	[tilespmem:$0x15220] =	vst v63  }
0x89: {  	_ =	swait.ge [sflag:s1], $0x1400  }
0x8a: {  	[sflag:s1] =	ssyncset.done $0x0  }
0x8b: {  	[sflag:s1] =	ssyncadd.s32 $0xFFFFEC00  }
0x8c: {  	[spmem:s2] =	stream.indirect.scatter.add.f32 [tilespmem:s22], [sflag:$0x9], $0x40, s11, s16, $0xb8;
	[tilespmem:$0x15220] =	vst v63  }
0x8d: {  	_ =	swait.ge [sflag:s13], $0x1400  }
0x8e: {  	[sflag:s13] =	ssyncset.done $0x0  }
0x8f: {  	[sflag:s13] =	ssyncadd.s32 $0xFFFFEC00  }
0x90: {  	[spmem:s2] =	stream.indirect.scatter.add.f32 [tilespmem:s24], [sflag:$0xA], $0x40, s19, s16, $0xb8;
	[tilespmem:$0x15220] =	vst v63  }
0x91: {  	_ =	swait.ge [sflag:s26], $0x1400  }
0x92: {  	[sflag:s26] =	ssyncset.done $0x0  }
0x93: {  	[sflag:s26] =	ssyncadd.s32 $0xFFFFEC00  }
0x94: {  	_ =	swait.ge [sflag:s29], $0x1400  }
0x95: {  	[sflag:s29] =	ssyncset.done $0x0  }
0x96: {  	[sflag:s29] =	ssyncadd.s32 $0xFFFFEC00  }
0x97: {  	_ =	swait.ge [sflag:s31], $0x1400  }
0x98: {  	[sflag:s31] =	ssyncset.done $0x0  }
0x99: {  	[sflag:s31] =	ssyncadd.s32 $0xFFFFEC00  }
0x9a: {  	_ =	swait.ge [sflag:s0], $0x1400  }
0x9b: {  	[sflag:s0] =	ssyncset.done $0x0  }
0x9c: {  	[sflag:s0] =	ssyncadd.s32 $0xFFFFEC00  }
0x9d: {  	_ =	swait.ge [sflag:s6], $0x1400  }
0x9e: {  	[sflag:s6] =	ssyncset.done $0x0  }
0x9f: {  	[sflag:s6] =	ssyncadd.s32 $0xFFFFEC00  }
0xa0: {  	[bflag:$0x0] =	sbarrier.arrive $0xFFFF  }
0xa1: {  	s8 =	rddreg [dreg:$0x5]  }
0xa2: {  	[hbm:s8], [sflag:s14] =	dma.local [spmem:s15], $0x1400  }
0xa3: {  	_ =	swait.ge [sflag:s12], $0x1400  }
0xa4: {  	[sflag:s12] =	ssyncset.done $0x0  }
0xa5: {  	[sflag:s12] =	ssyncadd.s32 $0xFFFFEC00  }
0xa6: {  	[spmem:s15], [sflag:s14] =	dma.local [hbm:s5], $0x1400  }
0xa7: {  	_ =	swait.ge [sflag:s12], $0x1400  }
0xa8: {  	[sflag:s12] =	ssyncset.done $0x0  }
0xa9: {  	s23 =	simm.s32 $0x0;
	[sflag:s12] =	ssyncadd.s32 $0xFFFFEC00  }
0xaa: {  	[tilespmem:s17], [sflag:$0x1] =	stream.indirect.gather [hbm4b:s9+s16], $0x40, s23, s16, $0xb8;
	[tilespmem:$0x15220] =	vst v63  }
0xab: {  	_ = 	snop  }
0xac: {  	[tilespmem:s18], [sflag:$0x2] =	stream.indirect.gather [hbm4b:s9+s16], $0x40, s16, s16, $0xb8;
	[tilespmem:$0x15220] =	vst v63  }
0xad: {  	s8 =	simm.s32 $0xA0  }
0xae: {  	[tilespmem:s20], [sflag:$0x3] =	stream.indirect.gather [hbm4b:s9+s16], $0x40, s8, s16, $0xb8;
	[tilespmem:$0x15220] =	vst v63  }
0xaf: {  	s23 =	simm.s32 $0xF0  }
0xb0: {  	[tilespmem:s22], [sflag:$0x4] =	stream.indirect.gather [hbm4b:s9+s16], $0x40, s23, s16, $0xb8;
	[tilespmem:$0x15220] =	vst v63  }
0xb1: {  	s8 =	simm.s32 $0x140  }
0xb2: {  	[tilespmem:s24], [sflag:$0x5] =	stream.indirect.gather [hbm4b:s9+s16], $0x40, s8, s16, $0xb8;
	[tilespmem:$0x15220] =	vst v63  }
0xb3: {  	[bflag:$0x0] =	sbarrier.arrive $0xFFFF  }
0xb4: {  	_ =	swait.ge [sflag:s25], $0x1400  }
0xb5: {  	[sflag:s25] =	ssyncset.done $0x0  }
0xb6: {  	s23 =	simm.s32 $0x2710;
	[sflag:s25] =	ssyncadd.s32 $0xFFFFEC00  }
0xb7: {  	[spmem:s2] =	stream.indirect.scatter.add.f32 [tilespmem:s17], [sflag:$0x6], $0x40, s23, s16, $0xb8;
	[tilespmem:$0x15220] =	vst v63  }
0xb8: {  	_ =	swait.ge [sflag:s26], $0x1400  }
0xb9: {  	[sflag:s26] =	ssyncset.done $0x0  }
0xba: {  	s8 =	simm.s32 $0x190;
	[sflag:s26] =	ssyncadd.s32 $0xFFFFEC00  }
0xbb: {  	[tilespmem:s17], [sflag:$0x1] =	stream.indirect.gather [hbm4b:s9+s16], $0x40, s8, s16, $0xb8;
	[tilespmem:$0x15220] =	vst v63  }
0xbc: {  	_ =	swait.ge [sflag:s28], $0x1400  }
0xbd: {  	[sflag:s28] =	ssyncset.done $0x0  }
0xbe: {  	s23 =	simm.s32 $0x2760;
	[sflag:s28] =	ssyncadd.s32 $0xFFFFEC00  }
0xbf: {  	[spmem:s2] =	stream.indirect.scatter.add.f32 [tilespmem:s18], [sflag:$0x7], $0x40, s23, s16, $0xb8;
	[tilespmem:$0x15220] =	vst v63  }
0xc0: {  	_ =	swait.ge [sflag:s29], $0x1400  }
0xc1: {  	[sflag:s29] =	ssyncset.done $0x0  }
0xc2: {  	s8 =	simm.s32 $0x1E0;
	[sflag:s29] =	ssyncadd.s32 $0xFFFFEC00  }
0xc3: {  	[tilespmem:s18], [sflag:$0x2] =	stream.indirect.gather [hbm4b:s9+s16], $0x40, s8, s16, $0xb8;
	[tilespmem:$0x15220] =	vst v63  }
0xc4: {  	_ =	swait.ge [sflag:s30], $0x1400  }
0xc5: {  	[sflag:s30] =	ssyncset.done $0x0  }
0xc6: {  	s23 =	simm.s32 $0x27B0;
	[sflag:s30] =	ssyncadd.s32 $0xFFFFEC00  }
0xc7: {  	[spmem:s2] =	stream.indirect.scatter.add.f32 [tilespmem:s20], [sflag:$0x8], $0x40, s23, s16, $0xb8;
	[tilespmem:$0x15220] =	vst v63  }
0xc8: {  	_ =	swait.ge [sflag:s31], $0x1400  }
0xc9: {  	[sflag:s31] =	ssyncset.done $0x0  }
0xca: {  	s8 =	simm.s32 $0x230;
	[sflag:s31] =	ssyncadd.s32 $0xFFFFEC00  }
0xcb: {  	[tilespmem:s20], [sflag:$0x3] =	stream.indirect.gather [hbm4b:s9+s16], $0x40, s8, s16, $0xb8;
	[tilespmem:$0x15220] =	vst v63  }
0xcc: {  	_ =	swait.ge [sflag:s1], $0x1400  }
0xcd: {  	[sflag:s1] =	ssyncset.done $0x0  }
0xce: {  	s23 =	simm.s32 $0x2800;
	[sflag:s1] =	ssyncadd.s32 $0xFFFFEC00  }
0xcf: {  	[spmem:s2] =	stream.indirect.scatter.add.f32 [tilespmem:s22], [sflag:$0x9], $0x40, s23, s16, $0xb8;
	[tilespmem:$0x15220] =	vst v63  }
0xd0: {  	_ =	swait.ge [sflag:s0], $0x1400  }
0xd1: {  	[sflag:s0] =	ssyncset.done $0x0  }
0xd2: {  	s8 =	simm.s32 $0x280;
	[sflag:s0] =	ssyncadd.s32 $0xFFFFEC00  }
0xd3: {  	[tilespmem:s22], [sflag:$0x4] =	stream.indirect.gather [hbm4b:s9+s16], $0x40, s8, s16, $0xb8;
	[tilespmem:$0x15220] =	vst v63  }
0xd4: {  	_ =	swait.ge [sflag:s13], $0x1400  }
0xd5: {  	[sflag:s13] =	ssyncset.done $0x0  }
0xd6: {  	s23 =	simm.s32 $0x2850;
	[sflag:s13] =	ssyncadd.s32 $0xFFFFEC00  }
0xd7: {  	[spmem:s2] =	stream.indirect.scatter.add.f32 [tilespmem:s24], [sflag:$0xA], $0x40, s23, s16, $0xb8;
	[tilespmem:$0x15220] =	vst v63  }
0xd8: {  	_ =	swait.ge [sflag:s6], $0x1400  }
0xd9: {  	[sflag:s6] =	ssyncset.done $0x0  }
0xda: {  	s7 =	simm.s32 $0x2D0;
	s23 =	simm.s32 $0x640;
	[sflag:s6] =	ssyncadd.s32 $0xFFFFEC00  }
.LBB2_4:
0xdb: {  	[tilespmem:s24], [sflag:$0x5] =	stream.indirect.gather [hbm4b:s9+s16], $0x40, s7, s16, $0xb8;
	[tilespmem:$0x15220] =	vst v63  }
0xdc: {  	s7 =	smov.u32 s23  }
0xdd: {  	p0 =	sne.s32 s23, $0x8FC0;
	s23 =	sadd.s32 $0x640, s23;
	_ =	swait.ge [sflag:s25], $0x1400  }
0xde: {  	s7 =	sshra.s32 s7, $0x2;
	[sflag:s25] =	ssyncset.done $0x0  }
0xdf: {  	s8 =	sadd.s32 $0x2710, s7;
	[sflag:s25] =	ssyncadd.s32 $0xFFFFEC00  }
0xe0: {  	[spmem:s2] =	stream.indirect.scatter.add.f32 [tilespmem:s17], [sflag:$0x6], $0x40, s8, s16, $0xb8;
	[tilespmem:$0x15220] =	vst v63  }
0xe1: {  	_ =	swait.ge [sflag:s26], $0x1400  }
0xe2: {  	[sflag:s26] =	ssyncset.done $0x0  }
0xe3: {  	s8 =	sadd.s32 $0x190, s7;
	[sflag:s26] =	ssyncadd.s32 $0xFFFFEC00  }
0xe4: {  	[tilespmem:s17], [sflag:$0x1] =	stream.indirect.gather [hbm4b:s9+s16], $0x40, s8, s16, $0xb8;
	[tilespmem:$0x15220] =	vst v63  }
0xe5: {  	_ =	swait.ge [sflag:s28], $0x1400  }
0xe6: {  	[sflag:s28] =	ssyncset.done $0x0  }
0xe7: {  	s8 =	sadd.s32 $0x2760, s7;
	[sflag:s28] =	ssyncadd.s32 $0xFFFFEC00  }
0xe8: {  	[spmem:s2] =	stream.indirect.scatter.add.f32 [tilespmem:s18], [sflag:$0x7], $0x40, s8, s16, $0xb8;
	[tilespmem:$0x15220] =	vst v63  }
0xe9: {  	_ =	swait.ge [sflag:s29], $0x1400  }
0xea: {  	[sflag:s29] =	ssyncset.done $0x0  }
0xeb: {  	s8 =	sadd.s32 $0x1E0, s7;
	[sflag:s29] =	ssyncadd.s32 $0xFFFFEC00  }
0xec: {  	[tilespmem:s18], [sflag:$0x2] =	stream.indirect.gather [hbm4b:s9+s16], $0x40, s8, s16, $0xb8;
	[tilespmem:$0x15220] =	vst v63  }
0xed: {  	_ =	swait.ge [sflag:s30], $0x1400  }
0xee: {  	[sflag:s30] =	ssyncset.done $0x0  }
0xef: {  	s8 =	sadd.s32 $0x27B0, s7;
	[sflag:s30] =	ssyncadd.s32 $0xFFFFEC00  }
0xf0: {  	[spmem:s2] =	stream.indirect.scatter.add.f32 [tilespmem:s20], [sflag:$0x8], $0x40, s8, s16, $0xb8;
	[tilespmem:$0x15220] =	vst v63  }
0xf1: {  	_ =	swait.ge [sflag:s31], $0x1400  }
0xf2: {  	[sflag:s31] =	ssyncset.done $0x0  }
0xf3: {  	s8 =	sadd.s32 $0x230, s7;
	[sflag:s31] =	ssyncadd.s32 $0xFFFFEC00  }
0xf4: {  	[tilespmem:s20], [sflag:$0x3] =	stream.indirect.gather [hbm4b:s9+s16], $0x40, s8, s16, $0xb8;
	[tilespmem:$0x15220] =	vst v63  }
0xf5: {  	_ =	swait.ge [sflag:s1], $0x1400  }
0xf6: {  	[sflag:s1] =	ssyncset.done $0x0  }
0xf7: {  	s8 =	sadd.s32 $0x2800, s7;
	[sflag:s1] =	ssyncadd.s32 $0xFFFFEC00  }
0xf8: {  	[spmem:s2] =	stream.indirect.scatter.add.f32 [tilespmem:s22], [sflag:$0x9], $0x40, s8, s16, $0xb8;
	[tilespmem:$0x15220] =	vst v63  }
0xf9: {  	_ =	swait.ge [sflag:s0], $0x1400  }
0xfa: {  	[sflag:s0] =	ssyncset.done $0x0  }
0xfb: {  	s8 =	sadd.s32 $0x280, s7;
	[sflag:s0] =	ssyncadd.s32 $0xFFFFEC00  }
0xfc: {  	[tilespmem:s22], [sflag:$0x4] =	stream.indirect.gather [hbm4b:s9+s16], $0x40, s8, s16, $0xb8;
	[tilespmem:$0x15220] =	vst v63  }
0xfd: {  	_ =	swait.ge [sflag:s13], $0x1400  }
0xfe: {  	[sflag:s13] =	ssyncset.done $0x0  }
.Ltmp1:
0xff: {  	s8 =	sadd.s32 $0x2850, s7;
	[sflag:s13] =	ssyncadd.s32 $0xFFFFEC00;
	(pc) =	sbr.rel @p0 .LBB2_4-.Ltmp1, $4  }
0x100: {  	[spmem:s2] =	stream.indirect.scatter.add.f32 [tilespmem:s24], [sflag:$0xA], $0x40, s8, s16, $0xb8;
	[tilespmem:$0x15220] =	vst v63  }
0x101: {  	_ =	swait.ge [sflag:s6], $0x1400  }
0x102: {  	[sflag:s6] =	ssyncset.done $0x0  }
0x103: {  	s7 =	sadd.s32 $0x2D0, s7;
	[sflag:s6] =	ssyncadd.s32 $0xFFFFEC00  }
0x104: {  	[tilespmem:s24], [sflag:$0x5] =	stream.indirect.gather [hbm4b:s9+s16], $0x40, s7, s16, $0xb8;
	[tilespmem:$0x15220] =	vst v63  }
0x105: {  	_ =	swait.ge [sflag:s25], $0x1400  }
0x106: {  	[sflag:s25] =	ssyncset.done $0x0  }
0x107: {  	s8 =	simm.s32 $0x4C90;
	[sflag:s25] =	ssyncadd.s32 $0xFFFFEC00  }
0x108: {  	[spmem:s2] =	stream.indirect.scatter.add.f32 [tilespmem:s17], [sflag:$0x6], $0x40, s8, s16, $0xb8;
	[tilespmem:$0x15220] =	vst v63  }
0x109: {  	_ =	swait.ge [sflag:s28], $0x1400  }
0x10a: {  	[sflag:s28] =	ssyncset.done $0x0  }
0x10b: {  	s23 =	simm.s32 $0x4CE0;
	[sflag:s28] =	ssyncadd.s32 $0xFFFFEC00  }
0x10c: {  	[spmem:s2] =	stream.indirect.scatter.add.f32 [tilespmem:s18], [sflag:$0x7], $0x40, s23, s16, $0xb8;
	[tilespmem:$0x15220] =	vst v63  }
0x10d: {  	_ =	swait.ge [sflag:s30], $0x1400  }
0x10e: {  	[sflag:s30] =	ssyncset.done $0x0  }
0x10f: {  	[sflag:s30] =	ssyncadd.s32 $0xFFFFEC00  }
0x110: {  	[spmem:s2] =	stream.indirect.scatter.add.f32 [tilespmem:s20], [sflag:$0x8], $0x40, s10, s16, $0xb8;
	[tilespmem:$0x15220] =	vst v63  }
0x111: {  	_ =	swait.ge [sflag:s1], $0x1400  }
0x112: {  	[sflag:s1] =	ssyncset.done $0x0  }
0x113: {  	[sflag:s1] =	ssyncadd.s32 $0xFFFFEC00  }
0x114: {  	[spmem:s2] =	stream.indirect.scatter.add.f32 [tilespmem:s22], [sflag:$0x9], $0x40, s11, s16, $0xb8;
	[tilespmem:$0x15220] =	vst v63  }
0x115: {  	_ =	swait.ge [sflag:s13], $0x1400  }
0x116: {  	[sflag:s13] =	ssyncset.done $0x0  }
0x117: {  	[sflag:s13] =	ssyncadd.s32 $0xFFFFEC00  }
0x118: {  	[spmem:s2] =	stream.indirect.scatter.add.f32 [tilespmem:s24], [sflag:$0xA], $0x40, s19, s16, $0xb8;
	[tilespmem:$0x15220] =	vst v63  }
0x119: {  	_ =	swait.ge [sflag:s26], $0x1400  }
0x11a: {  	[sflag:s26] =	ssyncset.done $0x0  }
0x11b: {  	[sflag:s26] =	ssyncadd.s32 $0xFFFFEC00  }
0x11c: {  	_ =	swait.ge [sflag:s29], $0x1400  }
0x11d: {  	[sflag:s29] =	ssyncset.done $0x0  }
0x11e: {  	[sflag:s29] =	ssyncadd.s32 $0xFFFFEC00  }
0x11f: {  	_ =	swait.ge [sflag:s31], $0x1400  }
0x120: {  	[sflag:s31] =	ssyncset.done $0x0  }
0x121: {  	[sflag:s31] =	ssyncadd.s32 $0xFFFFEC00  }
0x122: {  	_ =	swait.ge [sflag:s0], $0x1400  }
0x123: {  	[sflag:s0] =	ssyncset.done $0x0  }
0x124: {  	[sflag:s0] =	ssyncadd.s32 $0xFFFFEC00  }
0x125: {  	_ =	swait.ge [sflag:s6], $0x1400  }
0x126: {  	[sflag:s6] =	ssyncset.done $0x0  }
0x127: {  	[sflag:s6] =	ssyncadd.s32 $0xFFFFEC00  }
0x128: {  	[bflag:$0x0] =	sbarrier.arrive $0xFFFF  }
0x129: {  	s8 =	rddreg [dreg:$0x6]  }
0x12a: {  	[hbm:s8], [sflag:s14] =	dma.local [spmem:s15], $0x1400  }
0x12b: {  	_ =	swait.ge [sflag:s12], $0x1400  }
0x12c: {  	s21 =	sadd.s32 $0x1, s21;
	s23 =	rddreg [dreg:$0x7]  }
0x12d: {  	p0 =	sne.s32 s21, s23  }
.Ltmp2:
0x12e: {  	_ = 	snop;
	(pc) =	sbr.rel @p0 .LBB2_1-.Ltmp2, $3  }
0x12f: {  	_ =	sdelay $0x1  }
0x130: {  	[sflag:s12] =	ssyncset.done $0x0  }
0x131: {  	[sflag:s12] =	ssyncadd.s32 $0xFFFFEC00  }
0x132: {  	_ =	sfence.sel $0x180000  }
0x133: {  	[bflag:$0x0] =	sbarrier.arrive $0xFFFF  }
0x134: {  	_ =	strace $0x90000047  }
0x135: {  	s0 =	stileid.u32;
	[bflag:$0x2] =	sbarrier.arrive $0xFFFF  }
0x136: {  	p0 =	sne.s32 s0, $0x0;
	s0 =	rddreg [dreg:$0x2]  }
0x137: {  	s0 =	sadd.s32 @!p0 $0x100000, s0  }
0x138: {  	[sflag:s0] =	ssyncadd.tile.s32 @!p0 $0x1;
	_ =	shalt  }
.Lfunc_end2:
_tile_overlayer_lowered:
.L_overlay_start_2:
0x139: {  	(tag) =	ssettag $0x2  }
0x13a: {  	s0 =	rddreg [dreg:$0x0];
	s2 =	stileid.u32  }
0x13b: {  	s1 =	rddreg [dreg:$0x1];
	p0 =	sne.s32 s2, $0x0  }
0x13c: {  	s3 =	rddreg [dreg:$0x2];
	[bflag:$0x3] =	sbarrier.arrive $0xFFFF;
	s2 =	simm.s32 @!p0 $0x1C0B  }
0x13d: {  	[timem:s3], [sflag:s2] =	dma.local @!p0 [hbm:s0], s1  }
0x13e: {  	s0 =	simm.s32 @!p0 $0xB  }
0x13f: {  	_ =	swait.ge @!p0 [sflag:s0], s1  }
0x140: {  	s1 =	ssub.s32 @!p0 $0x0, s1;
	[sflag:s0] =	ssyncset.done @!p0 $0x0  }
0x141: {  	[sflag:s0] =	ssyncadd.s32 @!p0 s1  }
0x142: {  	[bflag:$0x3] =	sbarrier.arrive $0xFFFF  }
0x143: {  	_ =	shalt  }

</sc_bundles>
